<compile_context>
chip_gen: v7x
topology: tpu7x:2x2x1
jax: 0.10.2.dev20260603
libtpu: 0.0.44.dev20260713+nightly
codegen_flags: <defaults>
</compile_context>

<pallas_src>
import jax
import jax.numpy as jnp
from jax import lax
from jax.experimental import pallas as pl
from jax.experimental.pallas import tpu as pltpu
from jax.experimental.pallas import tpu_sc as plsc

NUM_NODES = 100000
MEMORY_DIM = 128
N_IDS = 262144

NC = 2
NS = 16
NW = NC * NS

C = 128
B_PER_W = N_IDS // NW
NCHUNK = B_PER_W // C
NBUF = 3
NSTEP = NCHUNK // NBUF


def _tgn_gather_body(n_id_hbm, mem_hbm, pos_hbm, lu_hbm,
                     z_hbm, posz_hbm, luo_hbm,
                     idx_v, rows_z, rows_p, lu_v, lu_sp,
                     sg0, sg1, sg2, sw0, sw1, sw2, sl):
    sg = (sg0, sg1, sg2)
    sw = (sw0, sw1, sw2)
    sid = lax.axis_index("s")
    wid = sid * NC + lax.axis_index("c")
    row0 = wid * NCHUNK

    @pl.when(sid == 0)
    def _():
        pltpu.sync_copy(lu_hbm, lu_sp)

    pltpu.sync_copy(n_id_hbm.at[pl.ds(row0, NCHUNK)], idx_v)

    def fire_rows(j, b):
        pltpu.async_copy(mem_hbm.at[idx_v.at[j]], rows_z.at[b], sg[b])
        pltpu.async_copy(pos_hbm.at[idx_v.at[j]], rows_p.at[b], sg[b])

    def fire(j, b):
        fire_rows(j, b)
        pltpu.async_copy(lu_sp.at[idx_v.at[j]], lu_v.at[j], sl)

    def drain_and_write(j, b):
        pltpu.make_async_copy(mem_hbm.at[idx_v.at[j]], rows_z.at[b],
                              sg[b]).wait()
        pltpu.make_async_copy(pos_hbm.at[idx_v.at[j]], rows_p.at[b],
                              sg[b]).wait()
        base = (row0 + j) * C
        pltpu.async_copy(rows_z.at[b], z_hbm.at[pl.ds(base, C)], sw[b])
        pltpu.async_copy(rows_p.at[b], posz_hbm.at[pl.ds(base, C)], sw[b])

    def wait_writes(j, b):
        base = (row0 + j) * C
        pltpu.make_async_copy(rows_z.at[b], z_hbm.at[pl.ds(base, C)],
                              sw[b]).wait()
        pltpu.make_async_copy(rows_p.at[b], posz_hbm.at[pl.ds(base, C)],
                              sw[b]).wait()

    for b in range(NBUF):
        fire_rows(b, b)
    plsc.subcore_barrier()
    for b in range(NBUF):
        pltpu.async_copy(lu_sp.at[idx_v.at[b]], lu_v.at[b], sl)

    def step(g, carry):
        for b in range(NBUF):
            drain_and_write(g + b, b)
        for b in range(NBUF):
            j = g + b
            wait_writes(j, b)

            @pl.when(j + NBUF < NCHUNK)
            def _():
                fire(j + NBUF, b)
        return carry

    lax.fori_loop(0, NSTEP, lambda i, c: step(i * NBUF, c), 0, unroll=False)

    last = NCHUNK - 1
    drain_and_write(last, last % NBUF)
    wait_writes(last, last % NBUF)

    pltpu.make_async_copy(luo_hbm.at[pl.ds(row0, NCHUNK)], lu_v, sl).wait()
    pltpu.sync_copy(lu_v, luo_hbm.at[pl.ds(row0, NCHUNK)])


def kernel(n_id, memory, pos_memory, last_update):
    n_id2 = n_id.reshape(NW * NCHUNK, C)

    mesh = plsc.VectorSubcoreMesh(core_axis_name="c", subcore_axis_name="s",
                                  num_cores=NC, num_subcores=NS)
    out_type = (
        jax.ShapeDtypeStruct((N_IDS, MEMORY_DIM), jnp.float32),
        jax.ShapeDtypeStruct((N_IDS, MEMORY_DIM), jnp.float32),
        jax.ShapeDtypeStruct((NW * NCHUNK, C), jnp.int32),
    )
    scratch = [
        pltpu.VMEM((NCHUNK, C), jnp.int32),
        pltpu.VMEM((NBUF, C, MEMORY_DIM), jnp.float32),
        pltpu.VMEM((NBUF, C, MEMORY_DIM), jnp.float32),
        pltpu.VMEM((NCHUNK, C), jnp.int32),
        pltpu.VMEM_SHARED((NUM_NODES,), jnp.int32),
        pltpu.SemaphoreType.DMA,
        pltpu.SemaphoreType.DMA,
        pltpu.SemaphoreType.DMA,
        pltpu.SemaphoreType.DMA,
        pltpu.SemaphoreType.DMA,
        pltpu.SemaphoreType.DMA,
        pltpu.SemaphoreType.DMA,
    ]
    run = pl.kernel(_tgn_gather_body, out_type=out_type, mesh=mesh,
                    scratch_types=scratch)
    z, pos_z, lu2 = run(n_id2, memory, pos_memory, last_update)
    return (z, pos_z, lu2.reshape(N_IDS))

# --- scband reference (transcript-rebuilt; emitter-appended) ---
"""Pipeline reference for scband-position-passing-tgn-47072841564505 (READ-ONLY COPY).

The authoritative reference and input builder live on the scoring server;
editing this copy changes nothing except your own understanding.
"""

import jax, jax.numpy as jnp
import numpy as np

NUM_NODES = 100000
MEMORY_DIM = 128
N_IDS = 262144

def setup_inputs(seed: int = 0) -> dict:
    key = jax.random.key(seed)
    k1, k2, k3, k4 = jax.random.split(key, 4)
    n_id = jax.random.randint(k1, (N_IDS,), 0, NUM_NODES, dtype=jnp.int32)
    # Persistent learned/state tensors of the two TGNMemory modules
    memory = jax.random.normal(k2, (NUM_NODES, MEMORY_DIM), dtype=jnp.float32)
    pos_memory = jax.random.normal(k3, (NUM_NODES, MEMORY_DIM), dtype=jnp.float32)
    last_update = jax.random.randint(k4, (NUM_NODES,), 0, 100000, dtype=jnp.int32)
    return {"n_id": n_id, "memory": memory, "pos_memory": pos_memory, "last_update": last_update}

def reference(n_id, memory, pos_memory, last_update):
    # PositionPassingTGN.forward: two memory-table gathers + last_update gather.
    # TGNMemory(n_id) in eval/read mode returns stored memory rows and their
    # last-update timestamps for the queried node ids.
    z = jnp.take(memory, n_id, axis=0)
    pos_z = jnp.take(pos_memory, n_id, axis=0)
    lu = jnp.take(last_update, n_id, axis=0)
    return (z, pos_z, lu)

if __name__ == "__main__":
    import jax
    _d = setup_inputs()
    print(jax.jit(kernel)(*tuple(_d.values())))

</pallas_src>

<mosaic_0001>
#map = affine_map<(d0, d1) -> (0, 0)>
#map1 = affine_map<(d0, d1) -> (0)>
module attributes {stable_mosaic.version = 14 : i64} {
  func.func @_tgn_gather_body(%arg0: i32, %arg1: i32, %arg2: memref<2048x128xi32, #tpu.memory_space<hbm>>, %arg3: memref<100000x128xf32, #tpu.memory_space<hbm>>, %arg4: memref<100000x128xf32, #tpu.memory_space<hbm>>, %arg5: memref<100000xi32, #tpu.memory_space<hbm>>, %arg6: memref<262144x128xf32, #tpu.memory_space<hbm>>, %arg7: memref<262144x128xf32, #tpu.memory_space<hbm>>, %arg8: memref<2048x128xi32, #tpu.memory_space<hbm>>, %arg9: memref<64x128xi32, #tpu.memory_space<vmem>>, %arg10: memref<3x128x128xf32, #tpu.memory_space<vmem>>, %arg11: memref<3x128x128xf32, #tpu.memory_space<vmem>>, %arg12: memref<64x128xi32, #tpu.memory_space<vmem>>, %arg13: memref<100000xi32, #tpu.memory_space<vmem_shared>>, %arg14: memref<!tpu.dma_semaphore, #tpu.memory_space<semaphore_mem>>, %arg15: memref<!tpu.dma_semaphore, #tpu.memory_space<semaphore_mem>>, %arg16: memref<!tpu.dma_semaphore, #tpu.memory_space<semaphore_mem>>, %arg17: memref<!tpu.dma_semaphore, #tpu.memory_space<semaphore_mem>>, %arg18: memref<!tpu.dma_semaphore, #tpu.memory_space<semaphore_mem>>, %arg19: memref<!tpu.dma_semaphore, #tpu.memory_space<semaphore_mem>>, %arg20: memref<!tpu.dma_semaphore, #tpu.memory_space<semaphore_mem>>) attributes {dimension_semantics = [#tpu.dimension_semantics<core_parallel>, #tpu.dimension_semantics<subcore_parallel>], iteration_bounds = array<i64: 2, 16>, scalar_prefetch = 0 : i64, scratch_operands = 12 : i64, tpu.core_type = #tpu.core_type<sc_vector_subcore>, window_params = [{transform_indices = #map}, {transform_indices = #map}, {transform_indices = #map}, {transform_indices = #map1}, {transform_indices = #map}, {transform_indices = #map}, {transform_indices = #map}]} {
    %mul3A = arith.constant 2 : i32
    %mul3A_0 = arith.muli %arg1, %mul3A : i32
    %add3A = arith.addi %mul3A_0, %arg0 : i32
    %mul3A_1 = arith.constant 64 : i32
    %mul3A_2 = arith.muli %add3A, %mul3A_1 : i32
    %eq3A = arith.constant 0 : i32
    %eq3A_3 = arith.cmpi eq, %arg1, %eq3A : i32
    %convert_element_type3A = arith.extui %eq3A_3 : i1 to i32
    %cond3A = arith.constant 0 : i32
    %cond3A_4 = arith.cmpi ne, %convert_element_type3A, %cond3A : i32
    scf.if %cond3A_4 {
      "tpu.region"() ({
        %run_scoped3A = tpu.sem_alloc : memref<!tpu.dma_semaphore, #tpu.memory_space<semaphore_mem>>
        tpu.enqueue_dma source(%arg5 : memref<100000xi32, #tpu.memory_space<hbm>>) target(%arg13 : memref<100000xi32, #tpu.memory_space<vmem_shared>>) target_semaphore(%run_scoped3A : memref<!tpu.dma_semaphore, #tpu.memory_space<semaphore_mem>>)
        tpu.wait_dma2 semaphore(%run_scoped3A : memref<!tpu.dma_semaphore, #tpu.memory_space<semaphore_mem>>) src(%arg5 : memref<100000xi32, #tpu.memory_space<hbm>>) dst(%arg13 : memref<100000xi32, #tpu.memory_space<vmem_shared>>)
        tpu.yield
      }) : () -> ()
    } else {
    }
    "tpu.region"() ({
      %run_scoped3A = tpu.sem_alloc : memref<!tpu.dma_semaphore, #tpu.memory_space<semaphore_mem>>
      %dma_start3A_198 = arith.constant 0 : i32
      %dma_start3A_199 = tpu.memref_slice %arg2[%mul3A_2, %dma_start3A_198] : memref<2048x128xi32, #tpu.memory_space<hbm>> -> memref<64x128xi32, #tpu.memory_space<hbm>>
      %dma_start3A_200 = arith.constant 0 : i32
      %dma_start3A_201 = tpu.memref_slice %arg2[%mul3A_2, %dma_start3A_200] : memref<2048x128xi32, #tpu.memory_space<hbm>> -> memref<64x128xi32, #tpu.memory_space<hbm>>
      tpu.enqueue_dma source(%dma_start3A_201 : memref<64x128xi32, #tpu.memory_space<hbm>>) target(%arg9 : memref<64x128xi32, #tpu.memory_space<vmem>>) target_semaphore(%run_scoped3A : memref<!tpu.dma_semaphore, #tpu.memory_space<semaphore_mem>>)
      %dma_wait3A_202 = arith.constant 0 : i32
      %dma_wait3A_203 = tpu.memref_slice %arg2[%mul3A_2, %dma_wait3A_202] : memref<2048x128xi32, #tpu.memory_space<hbm>> -> memref<64x128xi32, #tpu.memory_space<hbm>>
      %dma_wait3A_204 = arith.constant 0 : i32
      %dma_wait3A_205 = tpu.memref_slice %arg2[%mul3A_2, %dma_wait3A_204] : memref<2048x128xi32, #tpu.memory_space<hbm>> -> memref<64x128xi32, #tpu.memory_space<hbm>>
      tpu.wait_dma2 semaphore(%run_scoped3A : memref<!tpu.dma_semaphore, #tpu.memory_space<semaphore_mem>>) src(%dma_wait3A_205 : memref<64x128xi32, #tpu.memory_space<hbm>>) dst(%arg9 : memref<64x128xi32, #tpu.memory_space<vmem>>)
      tpu.yield
    }) : () -> ()
    %dma_start3A = arith.constant 0 : i32
    %dma_start3A_5 = arith.constant 0 : i32
    %dma_start3A_6 = arith.constant 0 : i32
    %dma_start3A_7 = arith.constant 0 : i32
    %dma_start3A_8 = tpu.memref_slice %arg10[%dma_start3A_5, %dma_start3A_6, %dma_start3A_7] : memref<3x128x128xf32, #tpu.memory_space<vmem>> -> memref<1x128x128xf32, #tpu.memory_space<vmem>>
    %dma_start3A_9 = tpu.memref_squeeze %dma_start3A_8 : memref<1x128x128xf32, #tpu.memory_space<vmem>> -> memref<128x128xf32, #tpu.memory_space<vmem>>
    %dma_start3A_10 = arith.constant 0 : i32
    %dma_start3A_11 = tpu.memref_slice %arg9[%dma_start3A, %dma_start3A_10] : memref<64x128xi32, #tpu.memory_space<vmem>> -> memref<1x128xi32, #tpu.memory_space<vmem>>
    %dma_start3A_12 = tpu.memref_squeeze %dma_start3A_11 : memref<1x128xi32, #tpu.memory_space<vmem>> -> memref<128xi32, #tpu.memory_space<vmem>>
    %dma_start3A_13 = arith.constant 0 : i32
    %dma_start3A_14 = arith.constant 0 : i32
    %dma_start3A_15 = tpu.memref_slice %arg3[%dma_start3A_13, %dma_start3A_14] : memref<100000x128xf32, #tpu.memory_space<hbm>> -> memref<100000x128xf32, #tpu.memory_space<hbm>>
    tpu.enqueue_indirect_dma source(%dma_start3A_15 : memref<100000x128xf32, #tpu.memory_space<hbm>>) target(%dma_start3A_9 : memref<128x128xf32, #tpu.memory_space<vmem>>) offsets(%dma_start3A_12 : memref<128xi32, #tpu.memory_space<vmem>>) semaphore(%arg14 : memref<!tpu.dma_semaphore, #tpu.memory_space<semaphore_mem>>)
    %dma_start3A_16 = arith.constant 0 : i32
    %dma_start3A_17 = arith.constant 0 : i32
    %dma_start3A_18 = arith.constant 0 : i32
    %dma_start3A_19 = arith.constant 0 : i32
    %dma_start3A_20 = tpu.memref_slice %arg11[%dma_start3A_17, %dma_start3A_18, %dma_start3A_19] : memref<3x128x128xf32, #tpu.memory_space<vmem>> -> memref<1x128x128xf32, #tpu.memory_space<vmem>>
    %dma_start3A_21 = tpu.memref_squeeze %dma_start3A_20 : memref<1x128x128xf32, #tpu.memory_space<vmem>> -> memref<128x128xf32, #tpu.memory_space<vmem>>
    %dma_start3A_22 = arith.constant 0 : i32
    %dma_start3A_23 = tpu.memref_slice %arg9[%dma_start3A_16, %dma_start3A_22] : memref<64x128xi32, #tpu.memory_space<vmem>> -> memref<1x128xi32, #tpu.memory_space<vmem>>
    %dma_start3A_24 = tpu.memref_squeeze %dma_start3A_23 : memref<1x128xi32, #tpu.memory_space<vmem>> -> memref<128xi32, #tpu.memory_space<vmem>>
    %dma_start3A_25 = arith.constant 0 : i32
    %dma_start3A_26 = arith.constant 0 : i32
    %dma_start3A_27 = tpu.memref_slice %arg4[%dma_start3A_25, %dma_start3A_26] : memref<100000x128xf32, #tpu.memory_space<hbm>> -> memref<100000x128xf32, #tpu.memory_space<hbm>>
    tpu.enqueue_indirect_dma source(%dma_start3A_27 : memref<100000x128xf32, #tpu.memory_space<hbm>>) target(%dma_start3A_21 : memref<128x128xf32, #tpu.memory_space<vmem>>) offsets(%dma_start3A_24 : memref<128xi32, #tpu.memory_space<vmem>>) semaphore(%arg14 : memref<!tpu.dma_semaphore, #tpu.memory_space<semaphore_mem>>)
    %dma_start3A_28 = arith.constant 1 : i32
    %dma_start3A_29 = arith.constant 1 : i32
    %dma_start3A_30 = arith.constant 0 : i32
    %dma_start3A_31 = arith.constant 0 : i32
    %dma_start3A_32 = tpu.memref_slice %arg10[%dma_start3A_29, %dma_start3A_30, %dma_start3A_31] : memref<3x128x128xf32, #tpu.memory_space<vmem>> -> memref<1x128x128xf32, #tpu.memory_space<vmem>>
    %dma_start3A_33 = tpu.memref_squeeze %dma_start3A_32 : memref<1x128x128xf32, #tpu.memory_space<vmem>> -> memref<128x128xf32, #tpu.memory_space<vmem>>
    %dma_start3A_34 = arith.constant 0 : i32
    %dma_start3A_35 = tpu.memref_slice %arg9[%dma_start3A_28, %dma_start3A_34] : memref<64x128xi32, #tpu.memory_space<vmem>> -> memref<1x128xi32, #tpu.memory_space<vmem>>
    %dma_start3A_36 = tpu.memref_squeeze %dma_start3A_35 : memref<1x128xi32, #tpu.memory_space<vmem>> -> memref<128xi32, #tpu.memory_space<vmem>>
    %dma_start3A_37 = arith.constant 0 : i32
    %dma_start3A_38 = arith.constant 0 : i32
    %dma_start3A_39 = tpu.memref_slice %arg3[%dma_start3A_37, %dma_start3A_38] : memref<100000x128xf32, #tpu.memory_space<hbm>> -> memref<100000x128xf32, #tpu.memory_space<hbm>>
    tpu.enqueue_indirect_dma source(%dma_start3A_39 : memref<100000x128xf32, #tpu.memory_space<hbm>>) target(%dma_start3A_33 : memref<128x128xf32, #tpu.memory_space<vmem>>) offsets(%dma_start3A_36 : memref<128xi32, #tpu.memory_space<vmem>>) semaphore(%arg15 : memref<!tpu.dma_semaphore, #tpu.memory_space<semaphore_mem>>)
    %dma_start3A_40 = arith.constant 1 : i32
    %dma_start3A_41 = arith.constant 1 : i32
    %dma_start3A_42 = arith.constant 0 : i32
    %dma_start3A_43 = arith.constant 0 : i32
    %dma_start3A_44 = tpu.memref_slice %arg11[%dma_start3A_41, %dma_start3A_42, %dma_start3A_43] : memref<3x128x128xf32, #tpu.memory_space<vmem>> -> memref<1x128x128xf32, #tpu.memory_space<vmem>>
    %dma_start3A_45 = tpu.memref_squeeze %dma_start3A_44 : memref<1x128x128xf32, #tpu.memory_space<vmem>> -> memref<128x128xf32, #tpu.memory_space<vmem>>
    %dma_start3A_46 = arith.constant 0 : i32
    %dma_start3A_47 = tpu.memref_slice %arg9[%dma_start3A_40, %dma_start3A_46] : memref<64x128xi32, #tpu.memory_space<vmem>> -> memref<1x128xi32, #tpu.memory_space<vmem>>
    %dma_start3A_48 = tpu.memref_squeeze %dma_start3A_47 : memref<1x128xi32, #tpu.memory_space<vmem>> -> memref<128xi32, #tpu.memory_space<vmem>>
    %dma_start3A_49 = arith.constant 0 : i32
    %dma_start3A_50 = arith.constant 0 : i32
    %dma_start3A_51 = tpu.memref_slice %arg4[%dma_start3A_49, %dma_start3A_50] : memref<100000x128xf32, #tpu.memory_space<hbm>> -> memref<100000x128xf32, #tpu.memory_space<hbm>>
    tpu.enqueue_indirect_dma source(%dma_start3A_51 : memref<100000x128xf32, #tpu.memory_space<hbm>>) target(%dma_start3A_45 : memref<128x128xf32, #tpu.memory_space<vmem>>) offsets(%dma_start3A_48 : memref<128xi32, #tpu.memory_space<vmem>>) semaphore(%arg15 : memref<!tpu.dma_semaphore, #tpu.memory_space<semaphore_mem>>)
    %dma_start3A_52 = arith.constant 2 : i32
    %dma_start3A_53 = arith.constant 2 : i32
    %dma_start3A_54 = arith.constant 0 : i32
    %dma_start3A_55 = arith.constant 0 : i32
    %dma_start3A_56 = tpu.memref_slice %arg10[%dma_start3A_53, %dma_start3A_54, %dma_start3A_55] : memref<3x128x128xf32, #tpu.memory_space<vmem>> -> memref<1x128x128xf32, #tpu.memory_space<vmem>>
    %dma_start3A_57 = tpu.memref_squeeze %dma_start3A_56 : memref<1x128x128xf32, #tpu.memory_space<vmem>> -> memref<128x128xf32, #tpu.memory_space<vmem>>
    %dma_start3A_58 = arith.constant 0 : i32
    %dma_start3A_59 = tpu.memref_slice %arg9[%dma_start3A_52, %dma_start3A_58] : memref<64x128xi32, #tpu.memory_space<vmem>> -> memref<1x128xi32, #tpu.memory_space<vmem>>
    %dma_start3A_60 = tpu.memref_squeeze %dma_start3A_59 : memref<1x128xi32, #tpu.memory_space<vmem>> -> memref<128xi32, #tpu.memory_space<vmem>>
    %dma_start3A_61 = arith.constant 0 : i32
    %dma_start3A_62 = arith.constant 0 : i32
    %dma_start3A_63 = tpu.memref_slice %arg3[%dma_start3A_61, %dma_start3A_62] : memref<100000x128xf32, #tpu.memory_space<hbm>> -> memref<100000x128xf32, #tpu.memory_space<hbm>>
    tpu.enqueue_indirect_dma source(%dma_start3A_63 : memref<100000x128xf32, #tpu.memory_space<hbm>>) target(%dma_start3A_57 : memref<128x128xf32, #tpu.memory_space<vmem>>) offsets(%dma_start3A_60 : memref<128xi32, #tpu.memory_space<vmem>>) semaphore(%arg16 : memref<!tpu.dma_semaphore, #tpu.memory_space<semaphore_mem>>)
    %dma_start3A_64 = arith.constant 2 : i32
    %dma_start3A_65 = arith.constant 2 : i32
    %dma_start3A_66 = arith.constant 0 : i32
    %dma_start3A_67 = arith.constant 0 : i32
    %dma_start3A_68 = tpu.memref_slice %arg11[%dma_start3A_65, %dma_start3A_66, %dma_start3A_67] : memref<3x128x128xf32, #tpu.memory_space<vmem>> -> memref<1x128x128xf32, #tpu.memory_space<vmem>>
    %dma_start3A_69 = tpu.memref_squeeze %dma_start3A_68 : memref<1x128x128xf32, #tpu.memory_space<vmem>> -> memref<128x128xf32, #tpu.memory_space<vmem>>
    %dma_start3A_70 = arith.constant 0 : i32
    %dma_start3A_71 = tpu.memref_slice %arg9[%dma_start3A_64, %dma_start3A_70] : memref<64x128xi32, #tpu.memory_space<vmem>> -> memref<1x128xi32, #tpu.memory_space<vmem>>
    %dma_start3A_72 = tpu.memref_squeeze %dma_start3A_71 : memref<1x128xi32, #tpu.memory_space<vmem>> -> memref<128xi32, #tpu.memory_space<vmem>>
    %dma_start3A_73 = arith.constant 0 : i32
    %dma_start3A_74 = arith.constant 0 : i32
    %dma_start3A_75 = tpu.memref_slice %arg4[%dma_start3A_73, %dma_start3A_74] : memref<100000x128xf32, #tpu.memory_space<hbm>> -> memref<100000x128xf32, #tpu.memory_space<hbm>>
    tpu.enqueue_indirect_dma source(%dma_start3A_75 : memref<100000x128xf32, #tpu.memory_space<hbm>>) target(%dma_start3A_69 : memref<128x128xf32, #tpu.memory_space<vmem>>) offsets(%dma_start3A_72 : memref<128xi32, #tpu.memory_space<vmem>>) semaphore(%arg16 : memref<!tpu.dma_semaphore, #tpu.memory_space<semaphore_mem>>)
    %barrier3A = arith.constant 0 : index
    tpu.barrier barrier_id(%barrier3A)
    %dma_start3A_76 = arith.constant 0 : i32
    %dma_start3A_77 = arith.constant 0 : i32
    %dma_start3A_78 = arith.constant 0 : i32
    %dma_start3A_79 = tpu.memref_slice %arg12[%dma_start3A_77, %dma_start3A_78] : memref<64x128xi32, #tpu.memory_space<vmem>> -> memref<1x128xi32, #tpu.memory_space<vmem>>
    %dma_start3A_80 = tpu.memref_squeeze %dma_start3A_79 : memref<1x128xi32, #tpu.memory_space<vmem>> -> memref<128xi32, #tpu.memory_space<vmem>>
    %dma_start3A_81 = arith.constant 0 : i32
    %dma_start3A_82 = tpu.memref_slice %arg9[%dma_start3A_76, %dma_start3A_81] : memref<64x128xi32, #tpu.memory_space<vmem>> -> memref<1x128xi32, #tpu.memory_space<vmem>>
    %dma_start3A_83 = tpu.memref_squeeze %dma_start3A_82 : memref<1x128xi32, #tpu.memory_space<vmem>> -> memref<128xi32, #tpu.memory_space<vmem>>
    %dma_start3A_84 = arith.constant 0 : i32
    %dma_start3A_85 = tpu.memref_slice %arg13[%dma_start3A_84] : memref<100000xi32, #tpu.memory_space<vmem_shared>> -> memref<100000xi32, #tpu.memory_space<vmem_shared>>
    tpu.enqueue_indirect_dma source(%dma_start3A_85 : memref<100000xi32, #tpu.memory_space<vmem_shared>>) target(%dma_start3A_80 : memref<128xi32, #tpu.memory_space<vmem>>) offsets(%dma_start3A_83 : memref<128xi32, #tpu.memory_space<vmem>>) semaphore(%arg20 : memref<!tpu.dma_semaphore, #tpu.memory_space<semaphore_mem>>)
    %dma_start3A_86 = arith.constant 1 : i32
    %dma_start3A_87 = arith.constant 1 : i32
    %dma_start3A_88 = arith.constant 0 : i32
    %dma_start3A_89 = tpu.memref_slice %arg12[%dma_start3A_87, %dma_start3A_88] : memref<64x128xi32, #tpu.memory_space<vmem>> -> memref<1x128xi32, #tpu.memory_space<vmem>>
    %dma_start3A_90 = tpu.memref_squeeze %dma_start3A_89 : memref<1x128xi32, #tpu.memory_space<vmem>> -> memref<128xi32, #tpu.memory_space<vmem>>
    %dma_start3A_91 = arith.constant 0 : i32
    %dma_start3A_92 = tpu.memref_slice %arg9[%dma_start3A_86, %dma_start3A_91] : memref<64x128xi32, #tpu.memory_space<vmem>> -> memref<1x128xi32, #tpu.memory_space<vmem>>
    %dma_start3A_93 = tpu.memref_squeeze %dma_start3A_92 : memref<1x128xi32, #tpu.memory_space<vmem>> -> memref<128xi32, #tpu.memory_space<vmem>>
    %dma_start3A_94 = arith.constant 0 : i32
    %dma_start3A_95 = tpu.memref_slice %arg13[%dma_start3A_94] : memref<100000xi32, #tpu.memory_space<vmem_shared>> -> memref<100000xi32, #tpu.memory_space<vmem_shared>>
    tpu.enqueue_indirect_dma source(%dma_start3A_95 : memref<100000xi32, #tpu.memory_space<vmem_shared>>) target(%dma_start3A_90 : memref<128xi32, #tpu.memory_space<vmem>>) offsets(%dma_start3A_93 : memref<128xi32, #tpu.memory_space<vmem>>) semaphore(%arg20 : memref<!tpu.dma_semaphore, #tpu.memory_space<semaphore_mem>>)
    %dma_start3A_96 = arith.constant 2 : i32
    %dma_start3A_97 = arith.constant 2 : i32
    %dma_start3A_98 = arith.constant 0 : i32
    %dma_start3A_99 = tpu.memref_slice %arg12[%dma_start3A_97, %dma_start3A_98] : memref<64x128xi32, #tpu.memory_space<vmem>> -> memref<1x128xi32, #tpu.memory_space<vmem>>
    %dma_start3A_100 = tpu.memref_squeeze %dma_start3A_99 : memref<1x128xi32, #tpu.memory_space<vmem>> -> memref<128xi32, #tpu.memory_space<vmem>>
    %dma_start3A_101 = arith.constant 0 : i32
    %dma_start3A_102 = tpu.memref_slice %arg9[%dma_start3A_96, %dma_start3A_101] : memref<64x128xi32, #tpu.memory_space<vmem>> -> memref<1x128xi32, #tpu.memory_space<vmem>>
    %dma_start3A_103 = tpu.memref_squeeze %dma_start3A_102 : memref<1x128xi32, #tpu.memory_space<vmem>> -> memref<128xi32, #tpu.memory_space<vmem>>
    %dma_start3A_104 = arith.constant 0 : i32
    %dma_start3A_105 = tpu.memref_slice %arg13[%dma_start3A_104] : memref<100000xi32, #tpu.memory_space<vmem_shared>> -> memref<100000xi32, #tpu.memory_space<vmem_shared>>
    tpu.enqueue_indirect_dma source(%dma_start3A_105 : memref<100000xi32, #tpu.memory_space<vmem_shared>>) target(%dma_start3A_100 : memref<128xi32, #tpu.memory_space<vmem>>) offsets(%dma_start3A_103 : memref<128xi32, #tpu.memory_space<vmem>>) semaphore(%arg20 : memref<!tpu.dma_semaphore, #tpu.memory_space<semaphore_mem>>)
    %scan3A = arith.constant 0 : i32
    %scan3A_106 = arith.constant 0 : i32
    %scan3A_107 = arith.constant 21 : i32
    %scan3A_108 = arith.addi %scan3A_106, %scan3A_107 : i32
    %scan3A_109 = arith.constant 1 : i32
    scf.for %scan3A_198 = %scan3A_106 to %scan3A_108 step %scan3A_109  : i32 {
      %mul3A_199 = arith.constant 3 : i32
      %mul3A_200 = arith.muli %scan3A_198, %mul3A_199 : i32
      %add3A_201 = arith.constant 0 : i32
      %add3A_202 = arith.addi %mul3A_200, %add3A_201 : i32
      %dma_wait3A_203 = arith.constant 0 : i32
      %dma_wait3A_204 = arith.constant 0 : i32
      %dma_wait3A_205 = arith.constant 0 : i32
      %dma_wait3A_206 = tpu.memref_slice %arg10[%dma_wait3A_203, %dma_wait3A_204, %dma_wait3A_205] : memref<3x128x128xf32, #tpu.memory_space<vmem>> -> memref<1x128x128xf32, #tpu.memory_space<vmem>>
      %dma_wait3A_207 = tpu.memref_squeeze %dma_wait3A_206 : memref<1x128x128xf32, #tpu.memory_space<vmem>> -> memref<128x128xf32, #tpu.memory_space<vmem>>
      %dma_wait3A_208 = arith.constant 0 : i32
      %dma_wait3A_209 = tpu.memref_slice %arg9[%add3A_202, %dma_wait3A_208] : memref<64x128xi32, #tpu.memory_space<vmem>> -> memref<1x128xi32, #tpu.memory_space<vmem>>
      %dma_wait3A_210 = tpu.memref_squeeze %dma_wait3A_209 : memref<1x128xi32, #tpu.memory_space<vmem>> -> memref<128xi32, #tpu.memory_space<vmem>>
      %dma_wait3A_211 = arith.constant 0 : i32
      %dma_wait3A_212 = arith.constant 0 : i32
      %dma_wait3A_213 = tpu.memref_slice %arg3[%dma_wait3A_211, %dma_wait3A_212] : memref<100000x128xf32, #tpu.memory_space<hbm>> -> memref<100000x128xf32, #tpu.memory_space<hbm>>
      tpu.wait_indirect_dma semaphore(%arg14 : memref<!tpu.dma_semaphore, #tpu.memory_space<semaphore_mem>>) src(%dma_wait3A_213 : memref<100000x128xf32, #tpu.memory_space<hbm>>) dst(%dma_wait3A_207 : memref<128x128xf32, #tpu.memory_space<vmem>>)
      %dma_wait3A_214 = arith.constant 0 : i32
      %dma_wait3A_215 = arith.constant 0 : i32
      %dma_wait3A_216 = arith.constant 0 : i32
      %dma_wait3A_217 = tpu.memref_slice %arg11[%dma_wait3A_214, %dma_wait3A_215, %dma_wait3A_216] : memref<3x128x128xf32, #tpu.memory_space<vmem>> -> memref<1x128x128xf32, #tpu.memory_space<vmem>>
      %dma_wait3A_218 = tpu.memref_squeeze %dma_wait3A_217 : memref<1x128x128xf32, #tpu.memory_space<vmem>> -> memref<128x128xf32, #tpu.memory_space<vmem>>
      %dma_wait3A_219 = arith.constant 0 : i32
      %dma_wait3A_220 = tpu.memref_slice %arg9[%add3A_202, %dma_wait3A_219] : memref<64x128xi32, #tpu.memory_space<vmem>> -> memref<1x128xi32, #tpu.memory_space<vmem>>
      %dma_wait3A_221 = tpu.memref_squeeze %dma_wait3A_220 : memref<1x128xi32, #tpu.memory_space<vmem>> -> memref<128xi32, #tpu.memory_space<vmem>>
      %dma_wait3A_222 = arith.constant 0 : i32
      %dma_wait3A_223 = arith.constant 0 : i32
      %dma_wait3A_224 = tpu.memref_slice %arg4[%dma_wait3A_222, %dma_wait3A_223] : memref<100000x128xf32, #tpu.memory_space<hbm>> -> memref<100000x128xf32, #tpu.memory_space<hbm>>
      tpu.wait_indirect_dma semaphore(%arg14 : memref<!tpu.dma_semaphore, #tpu.memory_space<semaphore_mem>>) src(%dma_wait3A_224 : memref<100000x128xf32, #tpu.memory_space<hbm>>) dst(%dma_wait3A_218 : memref<128x128xf32, #tpu.memory_space<vmem>>)
      %add3A_225 = arith.addi %mul3A_2, %add3A_202 : i32
      %mul3A_226 = arith.constant 128 : i32
      %mul3A_227 = arith.muli %add3A_225, %mul3A_226 : i32
      %dma_start3A_228 = arith.constant 0 : i32
      %dma_start3A_229 = arith.constant 0 : i32
      %dma_start3A_230 = arith.constant 0 : i32
      %dma_start3A_231 = tpu.memref_slice %arg10[%dma_start3A_228, %dma_start3A_229, %dma_start3A_230] : memref<3x128x128xf32, #tpu.memory_space<vmem>> -> memref<1x128x128xf32, #tpu.memory_space<vmem>>
      %dma_start3A_232 = tpu.memref_squeeze %dma_start3A_231 : memref<1x128x128xf32, #tpu.memory_space<vmem>> -> memref<128x128xf32, #tpu.memory_space<vmem>>
      %dma_start3A_233 = arith.constant 0 : i32
      %dma_start3A_234 = tpu.memref_slice %arg6[%mul3A_227, %dma_start3A_233] : memref<262144x128xf32, #tpu.memory_space<hbm>> -> memref<128x128xf32, #tpu.memory_space<hbm>>
      %dma_start3A_235 = arith.constant 0 : i32
      %dma_start3A_236 = tpu.memref_slice %arg6[%mul3A_227, %dma_start3A_235] : memref<262144x128xf32, #tpu.memory_space<hbm>> -> memref<128x128xf32, #tpu.memory_space<hbm>>
      %dma_start3A_237 = arith.constant 0 : i32
      %dma_start3A_238 = arith.constant 0 : i32
      %dma_start3A_239 = tpu.memref_slice %arg10[%dma_start3A_228, %dma_start3A_237, %dma_start3A_238] : memref<3x128x128xf32, #tpu.memory_space<vmem>> -> memref<1x128x128xf32, #tpu.memory_space<vmem>>
      %dma_start3A_240 = tpu.memref_squeeze %dma_start3A_239 : memref<1x128x128xf32, #tpu.memory_space<vmem>> -> memref<128x128xf32, #tpu.memory_space<vmem>>
      tpu.enqueue_dma source(%dma_start3A_240 : memref<128x128xf32, #tpu.memory_space<vmem>>) target(%dma_start3A_236 : memref<128x128xf32, #tpu.memory_space<hbm>>) target_semaphore(%arg17 : memref<!tpu.dma_semaphore, #tpu.memory_space<semaphore_mem>>)
      %dma_start3A_241 = arith.constant 0 : i32
      %dma_start3A_242 = arith.constant 0 : i32
      %dma_start3A_243 = arith.constant 0 : i32
      %dma_start3A_244 = tpu.memref_slice %arg11[%dma_start3A_241, %dma_start3A_242, %dma_start3A_243] : memref<3x128x128xf32, #tpu.memory_space<vmem>> -> memref<1x128x128xf32, #tpu.memory_space<vmem>>
      %dma_start3A_245 = tpu.memref_squeeze %dma_start3A_244 : memref<1x128x128xf32, #tpu.memory_space<vmem>> -> memref<128x128xf32, #tpu.memory_space<vmem>>
      %dma_start3A_246 = arith.constant 0 : i32
      %dma_start3A_247 = tpu.memref_slice %arg7[%mul3A_227, %dma_start3A_246] : memref<262144x128xf32, #tpu.memory_space<hbm>> -> memref<128x128xf32, #tpu.memory_space<hbm>>
      %dma_start3A_248 = arith.constant 0 : i32
      %dma_start3A_249 = tpu.memref_slice %arg7[%mul3A_227, %dma_start3A_248] : memref<262144x128xf32, #tpu.memory_space<hbm>> -> memref<128x128xf32, #tpu.memory_space<hbm>>
      %dma_start3A_250 = arith.constant 0 : i32
      %dma_start3A_251 = arith.constant 0 : i32
      %dma_start3A_252 = tpu.memref_slice %arg11[%dma_start3A_241, %dma_start3A_250, %dma_start3A_251] : memref<3x128x128xf32, #tpu.memory_space<vmem>> -> memref<1x128x128xf32, #tpu.memory_space<vmem>>
      %dma_start3A_253 = tpu.memref_squeeze %dma_start3A_252 : memref<1x128x128xf32, #tpu.memory_space<vmem>> -> memref<128x128xf32, #tpu.memory_space<vmem>>
      tpu.enqueue_dma source(%dma_start3A_253 : memref<128x128xf32, #tpu.memory_space<vmem>>) target(%dma_start3A_249 : memref<128x128xf32, #tpu.memory_space<hbm>>) target_semaphore(%arg17 : memref<!tpu.dma_semaphore, #tpu.memory_space<semaphore_mem>>)
      %add3A_254 = arith.constant 1 : i32
      %add3A_255 = arith.addi %mul3A_200, %add3A_254 : i32
      %dma_wait3A_256 = arith.constant 1 : i32
      %dma_wait3A_257 = arith.constant 0 : i32
      %dma_wait3A_258 = arith.constant 0 : i32
      %dma_wait3A_259 = tpu.memref_slice %arg10[%dma_wait3A_256, %dma_wait3A_257, %dma_wait3A_258] : memref<3x128x128xf32, #tpu.memory_space<vmem>> -> memref<1x128x128xf32, #tpu.memory_space<vmem>>
      %dma_wait3A_260 = tpu.memref_squeeze %dma_wait3A_259 : memref<1x128x128xf32, #tpu.memory_space<vmem>> -> memref<128x128xf32, #tpu.memory_space<vmem>>
      %dma_wait3A_261 = arith.constant 0 : i32
      %dma_wait3A_262 = tpu.memref_slice %arg9[%add3A_255, %dma_wait3A_261] : memref<64x128xi32, #tpu.memory_space<vmem>> -> memref<1x128xi32, #tpu.memory_space<vmem>>
      %dma_wait3A_263 = tpu.memref_squeeze %dma_wait3A_262 : memref<1x128xi32, #tpu.memory_space<vmem>> -> memref<128xi32, #tpu.memory_space<vmem>>
      %dma_wait3A_264 = arith.constant 0 : i32
      %dma_wait3A_265 = arith.constant 0 : i32
      %dma_wait3A_266 = tpu.memref_slice %arg3[%dma_wait3A_264, %dma_wait3A_265] : memref<100000x128xf32, #tpu.memory_space<hbm>> -> memref<100000x128xf32, #tpu.memory_space<hbm>>
      tpu.wait_indirect_dma semaphore(%arg15 : memref<!tpu.dma_semaphore, #tpu.memory_space<semaphore_mem>>) src(%dma_wait3A_266 : memref<100000x128xf32, #tpu.memory_space<hbm>>) dst(%dma_wait3A_260 : memref<128x128xf32, #tpu.memory_space<vmem>>)
      %dma_wait3A_267 = arith.constant 1 : i32
      %dma_wait3A_268 = arith.constant 0 : i32
      %dma_wait3A_269 = arith.constant 0 : i32
      %dma_wait3A_270 = tpu.memref_slice %arg11[%dma_wait3A_267, %dma_wait3A_268, %dma_wait3A_269] : memref<3x128x128xf32, #tpu.memory_space<vmem>> -> memref<1x128x128xf32, #tpu.memory_space<vmem>>
      %dma_wait3A_271 = tpu.memref_squeeze %dma_wait3A_270 : memref<1x128x128xf32, #tpu.memory_space<vmem>> -> memref<128x128xf32, #tpu.memory_space<vmem>>
      %dma_wait3A_272 = arith.constant 0 : i32
      %dma_wait3A_273 = tpu.memref_slice %arg9[%add3A_255, %dma_wait3A_272] : memref<64x128xi32, #tpu.memory_space<vmem>> -> memref<1x128xi32, #tpu.memory_space<vmem>>
      %dma_wait3A_274 = tpu.memref_squeeze %dma_wait3A_273 : memref<1x128xi32, #tpu.memory_space<vmem>> -> memref<128xi32, #tpu.memory_space<vmem>>
      %dma_wait3A_275 = arith.constant 0 : i32
      %dma_wait3A_276 = arith.constant 0 : i32
      %dma_wait3A_277 = tpu.memref_slice %arg4[%dma_wait3A_275, %dma_wait3A_276] : memref<100000x128xf32, #tpu.memory_space<hbm>> -> memref<100000x128xf32, #tpu.memory_space<hbm>>
      tpu.wait_indirect_dma semaphore(%arg15 : memref<!tpu.dma_semaphore, #tpu.memory_space<semaphore_mem>>) src(%dma_wait3A_277 : memref<100000x128xf32, #tpu.memory_space<hbm>>) dst(%dma_wait3A_271 : memref<128x128xf32, #tpu.memory_space<vmem>>)
      %add3A_278 = arith.addi %mul3A_2, %add3A_255 : i32
      %mul3A_279 = arith.constant 128 : i32
      %mul3A_280 = arith.muli %add3A_278, %mul3A_279 : i32
      %dma_start3A_281 = arith.constant 1 : i32
      %dma_start3A_282 = arith.constant 0 : i32
      %dma_start3A_283 = arith.constant 0 : i32
      %dma_start3A_284 = tpu.memref_slice %arg10[%dma_start3A_281, %dma_start3A_282, %dma_start3A_283] : memref<3x128x128xf32, #tpu.memory_space<vmem>> -> memref<1x128x128xf32, #tpu.memory_space<vmem>>
      %dma_start3A_285 = tpu.memref_squeeze %dma_start3A_284 : memref<1x128x128xf32, #tpu.memory_space<vmem>> -> memref<128x128xf32, #tpu.memory_space<vmem>>
      %dma_start3A_286 = arith.constant 0 : i32
      %dma_start3A_287 = tpu.memref_slice %arg6[%mul3A_280, %dma_start3A_286] : memref<262144x128xf32, #tpu.memory_space<hbm>> -> memref<128x128xf32, #tpu.memory_space<hbm>>
      %dma_start3A_288 = arith.constant 0 : i32
      %dma_start3A_289 = tpu.memref_slice %arg6[%mul3A_280, %dma_start3A_288] : memref<262144x128xf32, #tpu.memory_space<hbm>> -> memref<128x128xf32, #tpu.memory_space<hbm>>
      %dma_start3A_290 = arith.constant 0 : i32
      %dma_start3A_291 = arith.constant 0 : i32
      %dma_start3A_292 = tpu.memref_slice %arg10[%dma_start3A_281, %dma_start3A_290, %dma_start3A_291] : memref<3x128x128xf32, #tpu.memory_space<vmem>> -> memref<1x128x128xf32, #tpu.memory_space<vmem>>
      %dma_start3A_293 = tpu.memref_squeeze %dma_start3A_292 : memref<1x128x128xf32, #tpu.memory_space<vmem>> -> memref<128x128xf32, #tpu.memory_space<vmem>>
      tpu.enqueue_dma source(%dma_start3A_293 : memref<128x128xf32, #tpu.memory_space<vmem>>) target(%dma_start3A_289 : memref<128x128xf32, #tpu.memory_space<hbm>>) target_semaphore(%arg18 : memref<!tpu.dma_semaphore, #tpu.memory_space<semaphore_mem>>)
      %dma_start3A_294 = arith.constant 1 : i32
      %dma_start3A_295 = arith.constant 0 : i32
      %dma_start3A_296 = arith.constant 0 : i32
      %dma_start3A_297 = tpu.memref_slice %arg11[%dma_start3A_294, %dma_start3A_295, %dma_start3A_296] : memref<3x128x128xf32, #tpu.memory_space<vmem>> -> memref<1x128x128xf32, #tpu.memory_space<vmem>>
      %dma_start3A_298 = tpu.memref_squeeze %dma_start3A_297 : memref<1x128x128xf32, #tpu.memory_space<vmem>> -> memref<128x128xf32, #tpu.memory_space<vmem>>
      %dma_start3A_299 = arith.constant 0 : i32
      %dma_start3A_300 = tpu.memref_slice %arg7[%mul3A_280, %dma_start3A_299] : memref<262144x128xf32, #tpu.memory_space<hbm>> -> memref<128x128xf32, #tpu.memory_space<hbm>>
      %dma_start3A_301 = arith.constant 0 : i32
      %dma_start3A_302 = tpu.memref_slice %arg7[%mul3A_280, %dma_start3A_301] : memref<262144x128xf32, #tpu.memory_space<hbm>> -> memref<128x128xf32, #tpu.memory_space<hbm>>
      %dma_start3A_303 = arith.constant 0 : i32
      %dma_start3A_304 = arith.constant 0 : i32
      %dma_start3A_305 = tpu.memref_slice %arg11[%dma_start3A_294, %dma_start3A_303, %dma_start3A_304] : memref<3x128x128xf32, #tpu.memory_space<vmem>> -> memref<1x128x128xf32, #tpu.memory_space<vmem>>
      %dma_start3A_306 = tpu.memref_squeeze %dma_start3A_305 : memref<1x128x128xf32, #tpu.memory_space<vmem>> -> memref<128x128xf32, #tpu.memory_space<vmem>>
      tpu.enqueue_dma source(%dma_start3A_306 : memref<128x128xf32, #tpu.memory_space<vmem>>) target(%dma_start3A_302 : memref<128x128xf32, #tpu.memory_space<hbm>>) target_semaphore(%arg18 : memref<!tpu.dma_semaphore, #tpu.memory_space<semaphore_mem>>)
      %add3A_307 = arith.constant 2 : i32
      %add3A_308 = arith.addi %mul3A_200, %add3A_307 : i32
      %dma_wait3A_309 = arith.constant 2 : i32
      %dma_wait3A_310 = arith.constant 0 : i32
      %dma_wait3A_311 = arith.constant 0 : i32
      %dma_wait3A_312 = tpu.memref_slice %arg10[%dma_wait3A_309, %dma_wait3A_310, %dma_wait3A_311] : memref<3x128x128xf32, #tpu.memory_space<vmem>> -> memref<1x128x128xf32, #tpu.memory_space<vmem>>
      %dma_wait3A_313 = tpu.memref_squeeze %dma_wait3A_312 : memref<1x128x128xf32, #tpu.memory_space<vmem>> -> memref<128x128xf32, #tpu.memory_space<vmem>>
      %dma_wait3A_314 = arith.constant 0 : i32
      %dma_wait3A_315 = tpu.memref_slice %arg9[%add3A_308, %dma_wait3A_314] : memref<64x128xi32, #tpu.memory_space<vmem>> -> memref<1x128xi32, #tpu.memory_space<vmem>>
      %dma_wait3A_316 = tpu.memref_squeeze %dma_wait3A_315 : memref<1x128xi32, #tpu.memory_space<vmem>> -> memref<128xi32, #tpu.memory_space<vmem>>
      %dma_wait3A_317 = arith.constant 0 : i32
      %dma_wait3A_318 = arith.constant 0 : i32
      %dma_wait3A_319 = tpu.memref_slice %arg3[%dma_wait3A_317, %dma_wait3A_318] : memref<100000x128xf32, #tpu.memory_space<hbm>> -> memref<100000x128xf32, #tpu.memory_space<hbm>>
      tpu.wait_indirect_dma semaphore(%arg16 : memref<!tpu.dma_semaphore, #tpu.memory_space<semaphore_mem>>) src(%dma_wait3A_319 : memref<100000x128xf32, #tpu.memory_space<hbm>>) dst(%dma_wait3A_313 : memref<128x128xf32, #tpu.memory_space<vmem>>)
      %dma_wait3A_320 = arith.constant 2 : i32
      %dma_wait3A_321 = arith.constant 0 : i32
      %dma_wait3A_322 = arith.constant 0 : i32
      %dma_wait3A_323 = tpu.memref_slice %arg11[%dma_wait3A_320, %dma_wait3A_321, %dma_wait3A_322] : memref<3x128x128xf32, #tpu.memory_space<vmem>> -> memref<1x128x128xf32, #tpu.memory_space<vmem>>
      %dma_wait3A_324 = tpu.memref_squeeze %dma_wait3A_323 : memref<1x128x128xf32, #tpu.memory_space<vmem>> -> memref<128x128xf32, #tpu.memory_space<vmem>>
      %dma_wait3A_325 = arith.constant 0 : i32
      %dma_wait3A_326 = tpu.memref_slice %arg9[%add3A_308, %dma_wait3A_325] : memref<64x128xi32, #tpu.memory_space<vmem>> -> memref<1x128xi32, #tpu.memory_space<vmem>>
      %dma_wait3A_327 = tpu.memref_squeeze %dma_wait3A_326 : memref<1x128xi32, #tpu.memory_space<vmem>> -> memref<128xi32, #tpu.memory_space<vmem>>
      %dma_wait3A_328 = arith.constant 0 : i32
      %dma_wait3A_329 = arith.constant 0 : i32
      %dma_wait3A_330 = tpu.memref_slice %arg4[%dma_wait3A_328, %dma_wait3A_329] : memref<100000x128xf32, #tpu.memory_space<hbm>> -> memref<100000x128xf32, #tpu.memory_space<hbm>>
      tpu.wait_indirect_dma semaphore(%arg16 : memref<!tpu.dma_semaphore, #tpu.memory_space<semaphore_mem>>) src(%dma_wait3A_330 : memref<100000x128xf32, #tpu.memory_space<hbm>>) dst(%dma_wait3A_324 : memref<128x128xf32, #tpu.memory_space<vmem>>)
      %add3A_331 = arith.addi %mul3A_2, %add3A_308 : i32
      %mul3A_332 = arith.constant 128 : i32
      %mul3A_333 = arith.muli %add3A_331, %mul3A_332 : i32
      %dma_start3A_334 = arith.constant 2 : i32
      %dma_start3A_335 = arith.constant 0 : i32
      %dma_start3A_336 = arith.constant 0 : i32
      %dma_start3A_337 = tpu.memref_slice %arg10[%dma_start3A_334, %dma_start3A_335, %dma_start3A_336] : memref<3x128x128xf32, #tpu.memory_space<vmem>> -> memref<1x128x128xf32, #tpu.memory_space<vmem>>
      %dma_start3A_338 = tpu.memref_squeeze %dma_start3A_337 : memref<1x128x128xf32, #tpu.memory_space<vmem>> -> memref<128x128xf32, #tpu.memory_space<vmem>>
      %dma_start3A_339 = arith.constant 0 : i32
      %dma_start3A_340 = tpu.memref_slice %arg6[%mul3A_333, %dma_start3A_339] : memref<262144x128xf32, #tpu.memory_space<hbm>> -> memref<128x128xf32, #tpu.memory_space<hbm>>
      %dma_start3A_341 = arith.constant 0 : i32
      %dma_start3A_342 = tpu.memref_slice %arg6[%mul3A_333, %dma_start3A_341] : memref<262144x128xf32, #tpu.memory_space<hbm>> -> memref<128x128xf32, #tpu.memory_space<hbm>>
      %dma_start3A_343 = arith.constant 0 : i32
      %dma_start3A_344 = arith.constant 0 : i32
      %dma_start3A_345 = tpu.memref_slice %arg10[%dma_start3A_334, %dma_start3A_343, %dma_start3A_344] : memref<3x128x128xf32, #tpu.memory_space<vmem>> -> memref<1x128x128xf32, #tpu.memory_space<vmem>>
      %dma_start3A_346 = tpu.memref_squeeze %dma_start3A_345 : memref<1x128x128xf32, #tpu.memory_space<vmem>> -> memref<128x128xf32, #tpu.memory_space<vmem>>
      tpu.enqueue_dma source(%dma_start3A_346 : memref<128x128xf32, #tpu.memory_space<vmem>>) target(%dma_start3A_342 : memref<128x128xf32, #tpu.memory_space<hbm>>) target_semaphore(%arg19 : memref<!tpu.dma_semaphore, #tpu.memory_space<semaphore_mem>>)
      %dma_start3A_347 = arith.constant 2 : i32
      %dma_start3A_348 = arith.constant 0 : i32
      %dma_start3A_349 = arith.constant 0 : i32
      %dma_start3A_350 = tpu.memref_slice %arg11[%dma_start3A_347, %dma_start3A_348, %dma_start3A_349] : memref<3x128x128xf32, #tpu.memory_space<vmem>> -> memref<1x128x128xf32, #tpu.memory_space<vmem>>
      %dma_start3A_351 = tpu.memref_squeeze %dma_start3A_350 : memref<1x128x128xf32, #tpu.memory_space<vmem>> -> memref<128x128xf32, #tpu.memory_space<vmem>>
      %dma_start3A_352 = arith.constant 0 : i32
      %dma_start3A_353 = tpu.memref_slice %arg7[%mul3A_333, %dma_start3A_352] : memref<262144x128xf32, #tpu.memory_space<hbm>> -> memref<128x128xf32, #tpu.memory_space<hbm>>
      %dma_start3A_354 = arith.constant 0 : i32
      %dma_start3A_355 = tpu.memref_slice %arg7[%mul3A_333, %dma_start3A_354] : memref<262144x128xf32, #tpu.memory_space<hbm>> -> memref<128x128xf32, #tpu.memory_space<hbm>>
      %dma_start3A_356 = arith.constant 0 : i32
      %dma_start3A_357 = arith.constant 0 : i32
      %dma_start3A_358 = tpu.memref_slice %arg11[%dma_start3A_347, %dma_start3A_356, %dma_start3A_357] : memref<3x128x128xf32, #tpu.memory_space<vmem>> -> memref<1x128x128xf32, #tpu.memory_space<vmem>>
      %dma_start3A_359 = tpu.memref_squeeze %dma_start3A_358 : memref<1x128x128xf32, #tpu.memory_space<vmem>> -> memref<128x128xf32, #tpu.memory_space<vmem>>
      tpu.enqueue_dma source(%dma_start3A_359 : memref<128x128xf32, #tpu.memory_space<vmem>>) target(%dma_start3A_355 : memref<128x128xf32, #tpu.memory_space<hbm>>) target_semaphore(%arg19 : memref<!tpu.dma_semaphore, #tpu.memory_space<semaphore_mem>>)
      %add3A_360 = arith.constant 0 : i32
      %add3A_361 = arith.addi %mul3A_200, %add3A_360 : i32
      %add3A_362 = arith.addi %mul3A_2, %add3A_361 : i32
      %mul3A_363 = arith.constant 128 : i32
      %mul3A_364 = arith.muli %add3A_362, %mul3A_363 : i32
      %dma_wait3A_365 = arith.constant 0 : i32
      %dma_wait3A_366 = arith.constant 0 : i32
      %dma_wait3A_367 = arith.constant 0 : i32
      %dma_wait3A_368 = tpu.memref_slice %arg10[%dma_wait3A_365, %dma_wait3A_366, %dma_wait3A_367] : memref<3x128x128xf32, #tpu.memory_space<vmem>> -> memref<1x128x128xf32, #tpu.memory_space<vmem>>
      %dma_wait3A_369 = tpu.memref_squeeze %dma_wait3A_368 : memref<1x128x128xf32, #tpu.memory_space<vmem>> -> memref<128x128xf32, #tpu.memory_space<vmem>>
      %dma_wait3A_370 = arith.constant 0 : i32
      %dma_wait3A_371 = tpu.memref_slice %arg6[%mul3A_364, %dma_wait3A_370] : memref<262144x128xf32, #tpu.memory_space<hbm>> -> memref<128x128xf32, #tpu.memory_space<hbm>>
      %dma_wait3A_372 = arith.constant 0 : i32
      %dma_wait3A_373 = tpu.memref_slice %arg6[%mul3A_364, %dma_wait3A_372] : memref<262144x128xf32, #tpu.memory_space<hbm>> -> memref<128x128xf32, #tpu.memory_space<hbm>>
      %dma_wait3A_374 = arith.constant 0 : i32
      %dma_wait3A_375 = arith.constant 0 : i32
      %dma_wait3A_376 = tpu.memref_slice %arg10[%dma_wait3A_365, %dma_wait3A_374, %dma_wait3A_375] : memref<3x128x128xf32, #tpu.memory_space<vmem>> -> memref<1x128x128xf32, #tpu.memory_space<vmem>>
      %dma_wait3A_377 = tpu.memref_squeeze %dma_wait3A_376 : memref<1x128x128xf32, #tpu.memory_space<vmem>> -> memref<128x128xf32, #tpu.memory_space<vmem>>
      tpu.wait_dma2 semaphore(%arg17 : memref<!tpu.dma_semaphore, #tpu.memory_space<semaphore_mem>>) src(%dma_wait3A_377 : memref<128x128xf32, #tpu.memory_space<vmem>>) dst(%dma_wait3A_373 : memref<128x128xf32, #tpu.memory_space<hbm>>)
      %dma_wait3A_378 = arith.constant 0 : i32
      %dma_wait3A_379 = arith.constant 0 : i32
      %dma_wait3A_380 = arith.constant 0 : i32
      %dma_wait3A_381 = tpu.memref_slice %arg11[%dma_wait3A_378, %dma_wait3A_379, %dma_wait3A_380] : memref<3x128x128xf32, #tpu.memory_space<vmem>> -> memref<1x128x128xf32, #tpu.memory_space<vmem>>
      %dma_wait3A_382 = tpu.memref_squeeze %dma_wait3A_381 : memref<1x128x128xf32, #tpu.memory_space<vmem>> -> memref<128x128xf32, #tpu.memory_space<vmem>>
      %dma_wait3A_383 = arith.constant 0 : i32
      %dma_wait3A_384 = tpu.memref_slice %arg7[%mul3A_364, %dma_wait3A_383] : memref<262144x128xf32, #tpu.memory_space<hbm>> -> memref<128x128xf32, #tpu.memory_space<hbm>>
      %dma_wait3A_385 = arith.constant 0 : i32
      %dma_wait3A_386 = tpu.memref_slice %arg7[%mul3A_364, %dma_wait3A_385] : memref<262144x128xf32, #tpu.memory_space<hbm>> -> memref<128x128xf32, #tpu.memory_space<hbm>>
      %dma_wait3A_387 = arith.constant 0 : i32
      %dma_wait3A_388 = arith.constant 0 : i32
      %dma_wait3A_389 = tpu.memref_slice %arg11[%dma_wait3A_378, %dma_wait3A_387, %dma_wait3A_388] : memref<3x128x128xf32, #tpu.memory_space<vmem>> -> memref<1x128x128xf32, #tpu.memory_space<vmem>>
      %dma_wait3A_390 = tpu.memref_squeeze %dma_wait3A_389 : memref<1x128x128xf32, #tpu.memory_space<vmem>> -> memref<128x128xf32, #tpu.memory_space<vmem>>
      tpu.wait_dma2 semaphore(%arg17 : memref<!tpu.dma_semaphore, #tpu.memory_space<semaphore_mem>>) src(%dma_wait3A_390 : memref<128x128xf32, #tpu.memory_space<vmem>>) dst(%dma_wait3A_386 : memref<128x128xf32, #tpu.memory_space<hbm>>)
      %add3A_391 = arith.constant 3 : i32
      %add3A_392 = arith.addi %add3A_361, %add3A_391 : i32
      %lt3A = arith.constant 64 : i32
      %lt3A_393 = arith.cmpi slt, %add3A_392, %lt3A : i32
      %convert_element_type3A_394 = arith.extui %lt3A_393 : i1 to i32
      %cond3A_395 = arith.constant 0 : i32
      %cond3A_396 = arith.cmpi ne, %convert_element_type3A_394, %cond3A_395 : i32
      scf.if %cond3A_396 {
        %add3A_473 = arith.constant 3 : i32
        %add3A_474 = arith.addi %add3A_361, %add3A_473 : i32
        %dma_start3A_475 = arith.constant 0 : i32
        %dma_start3A_476 = arith.constant 0 : i32
        %dma_start3A_477 = arith.constant 0 : i32
        %dma_start3A_478 = tpu.memref_slice %arg10[%dma_start3A_475, %dma_start3A_476, %dma_start3A_477] : memref<3x128x128xf32, #tpu.memory_space<vmem>> -> memref<1x128x128xf32, #tpu.memory_space<vmem>>
        %dma_start3A_479 = tpu.memref_squeeze %dma_start3A_478 : memref<1x128x128xf32, #tpu.memory_space<vmem>> -> memref<128x128xf32, #tpu.memory_space<vmem>>
        %dma_start3A_480 = arith.constant 0 : i32
        %dma_start3A_481 = tpu.memref_slice %arg9[%add3A_474, %dma_start3A_480] : memref<64x128xi32, #tpu.memory_space<vmem>> -> memref<1x128xi32, #tpu.memory_space<vmem>>
        %dma_start3A_482 = tpu.memref_squeeze %dma_start3A_481 : memref<1x128xi32, #tpu.memory_space<vmem>> -> memref<128xi32, #tpu.memory_space<vmem>>
        %dma_start3A_483 = arith.constant 0 : i32
        %dma_start3A_484 = arith.constant 0 : i32
        %dma_start3A_485 = tpu.memref_slice %arg3[%dma_start3A_483, %dma_start3A_484] : memref<100000x128xf32, #tpu.memory_space<hbm>> -> memref<100000x128xf32, #tpu.memory_space<hbm>>
        tpu.enqueue_indirect_dma source(%dma_start3A_485 : memref<100000x128xf32, #tpu.memory_space<hbm>>) target(%dma_start3A_479 : memref<128x128xf32, #tpu.memory_space<vmem>>) offsets(%dma_start3A_482 : memref<128xi32, #tpu.memory_space<vmem>>) semaphore(%arg14 : memref<!tpu.dma_semaphore, #tpu.memory_space<semaphore_mem>>)
        %dma_start3A_486 = arith.constant 0 : i32
        %dma_start3A_487 = arith.constant 0 : i32
        %dma_start3A_488 = arith.constant 0 : i32
        %dma_start3A_489 = tpu.memref_slice %arg11[%dma_start3A_486, %dma_start3A_487, %dma_start3A_488] : memref<3x128x128xf32, #tpu.memory_space<vmem>> -> memref<1x128x128xf32, #tpu.memory_space<vmem>>
        %dma_start3A_490 = tpu.memref_squeeze %dma_start3A_489 : memref<1x128x128xf32, #tpu.memory_space<vmem>> -> memref<128x128xf32, #tpu.memory_space<vmem>>
        %dma_start3A_491 = arith.constant 0 : i32
        %dma_start3A_492 = tpu.memref_slice %arg9[%add3A_474, %dma_start3A_491] : memref<64x128xi32, #tpu.memory_space<vmem>> -> memref<1x128xi32, #tpu.memory_space<vmem>>
        %dma_start3A_493 = tpu.memref_squeeze %dma_start3A_492 : memref<1x128xi32, #tpu.memory_space<vmem>> -> memref<128xi32, #tpu.memory_space<vmem>>
        %dma_start3A_494 = arith.constant 0 : i32
        %dma_start3A_495 = arith.constant 0 : i32
        %dma_start3A_496 = tpu.memref_slice %arg4[%dma_start3A_494, %dma_start3A_495] : memref<100000x128xf32, #tpu.memory_space<hbm>> -> memref<100000x128xf32, #tpu.memory_space<hbm>>
        tpu.enqueue_indirect_dma source(%dma_start3A_496 : memref<100000x128xf32, #tpu.memory_space<hbm>>) target(%dma_start3A_490 : memref<128x128xf32, #tpu.memory_space<vmem>>) offsets(%dma_start3A_493 : memref<128xi32, #tpu.memory_space<vmem>>) semaphore(%arg14 : memref<!tpu.dma_semaphore, #tpu.memory_space<semaphore_mem>>)
        %dma_start3A_497 = arith.constant 0 : i32
        %dma_start3A_498 = tpu.memref_slice %arg12[%add3A_474, %dma_start3A_497] : memref<64x128xi32, #tpu.memory_space<vmem>> -> memref<1x128xi32, #tpu.memory_space<vmem>>
        %dma_start3A_499 = tpu.memref_squeeze %dma_start3A_498 : memref<1x128xi32, #tpu.memory_space<vmem>> -> memref<128xi32, #tpu.memory_space<vmem>>
        %dma_start3A_500 = arith.constant 0 : i32
        %dma_start3A_501 = tpu.memref_slice %arg9[%add3A_474, %dma_start3A_500] : memref<64x128xi32, #tpu.memory_space<vmem>> -> memref<1x128xi32, #tpu.memory_space<vmem>>
        %dma_start3A_502 = tpu.memref_squeeze %dma_start3A_501 : memref<1x128xi32, #tpu.memory_space<vmem>> -> memref<128xi32, #tpu.memory_space<vmem>>
        %dma_start3A_503 = arith.constant 0 : i32
        %dma_start3A_504 = tpu.memref_slice %arg13[%dma_start3A_503] : memref<100000xi32, #tpu.memory_space<vmem_shared>> -> memref<100000xi32, #tpu.memory_space<vmem_shared>>
        tpu.enqueue_indirect_dma source(%dma_start3A_504 : memref<100000xi32, #tpu.memory_space<vmem_shared>>) target(%dma_start3A_499 : memref<128xi32, #tpu.memory_space<vmem>>) offsets(%dma_start3A_502 : memref<128xi32, #tpu.memory_space<vmem>>) semaphore(%arg20 : memref<!tpu.dma_semaphore, #tpu.memory_space<semaphore_mem>>)
      } else {
      }
      %add3A_397 = arith.constant 1 : i32
      %add3A_398 = arith.addi %mul3A_200, %add3A_397 : i32
      %add3A_399 = arith.addi %mul3A_2, %add3A_398 : i32
      %mul3A_400 = arith.constant 128 : i32
      %mul3A_401 = arith.muli %add3A_399, %mul3A_400 : i32
      %dma_wait3A_402 = arith.constant 1 : i32
      %dma_wait3A_403 = arith.constant 0 : i32
      %dma_wait3A_404 = arith.constant 0 : i32
      %dma_wait3A_405 = tpu.memref_slice %arg10[%dma_wait3A_402, %dma_wait3A_403, %dma_wait3A_404] : memref<3x128x128xf32, #tpu.memory_space<vmem>> -> memref<1x128x128xf32, #tpu.memory_space<vmem>>
      %dma_wait3A_406 = tpu.memref_squeeze %dma_wait3A_405 : memref<1x128x128xf32, #tpu.memory_space<vmem>> -> memref<128x128xf32, #tpu.memory_space<vmem>>
      %dma_wait3A_407 = arith.constant 0 : i32
      %dma_wait3A_408 = tpu.memref_slice %arg6[%mul3A_401, %dma_wait3A_407] : memref<262144x128xf32, #tpu.memory_space<hbm>> -> memref<128x128xf32, #tpu.memory_space<hbm>>
      %dma_wait3A_409 = arith.constant 0 : i32
      %dma_wait3A_410 = tpu.memref_slice %arg6[%mul3A_401, %dma_wait3A_409] : memref<262144x128xf32, #tpu.memory_space<hbm>> -> memref<128x128xf32, #tpu.memory_space<hbm>>
      %dma_wait3A_411 = arith.constant 0 : i32
      %dma_wait3A_412 = arith.constant 0 : i32
      %dma_wait3A_413 = tpu.memref_slice %arg10[%dma_wait3A_402, %dma_wait3A_411, %dma_wait3A_412] : memref<3x128x128xf32, #tpu.memory_space<vmem>> -> memref<1x128x128xf32, #tpu.memory_space<vmem>>
      %dma_wait3A_414 = tpu.memref_squeeze %dma_wait3A_413 : memref<1x128x128xf32, #tpu.memory_space<vmem>> -> memref<128x128xf32, #tpu.memory_space<vmem>>
      tpu.wait_dma2 semaphore(%arg18 : memref<!tpu.dma_semaphore, #tpu.memory_space<semaphore_mem>>) src(%dma_wait3A_414 : memref<128x128xf32, #tpu.memory_space<vmem>>) dst(%dma_wait3A_410 : memref<128x128xf32, #tpu.memory_space<hbm>>)
      %dma_wait3A_415 = arith.constant 1 : i32
      %dma_wait3A_416 = arith.constant 0 : i32
      %dma_wait3A_417 = arith.constant 0 : i32
      %dma_wait3A_418 = tpu.memref_slice %arg11[%dma_wait3A_415, %dma_wait3A_416, %dma_wait3A_417] : memref<3x128x128xf32, #tpu.memory_space<vmem>> -> memref<1x128x128xf32, #tpu.memory_space<vmem>>
      %dma_wait3A_419 = tpu.memref_squeeze %dma_wait3A_418 : memref<1x128x128xf32, #tpu.memory_space<vmem>> -> memref<128x128xf32, #tpu.memory_space<vmem>>
      %dma_wait3A_420 = arith.constant 0 : i32
      %dma_wait3A_421 = tpu.memref_slice %arg7[%mul3A_401, %dma_wait3A_420] : memref<262144x128xf32, #tpu.memory_space<hbm>> -> memref<128x128xf32, #tpu.memory_space<hbm>>
      %dma_wait3A_422 = arith.constant 0 : i32
      %dma_wait3A_423 = tpu.memref_slice %arg7[%mul3A_401, %dma_wait3A_422] : memref<262144x128xf32, #tpu.memory_space<hbm>> -> memref<128x128xf32, #tpu.memory_space<hbm>>
      %dma_wait3A_424 = arith.constant 0 : i32
      %dma_wait3A_425 = arith.constant 0 : i32
      %dma_wait3A_426 = tpu.memref_slice %arg11[%dma_wait3A_415, %dma_wait3A_424, %dma_wait3A_425] : memref<3x128x128xf32, #tpu.memory_space<vmem>> -> memref<1x128x128xf32, #tpu.memory_space<vmem>>
      %dma_wait3A_427 = tpu.memref_squeeze %dma_wait3A_426 : memref<1x128x128xf32, #tpu.memory_space<vmem>> -> memref<128x128xf32, #tpu.memory_space<vmem>>
      tpu.wait_dma2 semaphore(%arg18 : memref<!tpu.dma_semaphore, #tpu.memory_space<semaphore_mem>>) src(%dma_wait3A_427 : memref<128x128xf32, #tpu.memory_space<vmem>>) dst(%dma_wait3A_423 : memref<128x128xf32, #tpu.memory_space<hbm>>)
      %add3A_428 = arith.constant 3 : i32
      %add3A_429 = arith.addi %add3A_398, %add3A_428 : i32
      %lt3A_430 = arith.constant 64 : i32
      %lt3A_431 = arith.cmpi slt, %add3A_429, %lt3A_430 : i32
      %convert_element_type3A_432 = arith.extui %lt3A_431 : i1 to i32
      %cond3A_433 = arith.constant 0 : i32
      %cond3A_434 = arith.cmpi ne, %convert_element_type3A_432, %cond3A_433 : i32
      scf.if %cond3A_434 {
        %add3A_473 = arith.constant 3 : i32
        %add3A_474 = arith.addi %add3A_398, %add3A_473 : i32
        %dma_start3A_475 = arith.constant 1 : i32
        %dma_start3A_476 = arith.constant 0 : i32
        %dma_start3A_477 = arith.constant 0 : i32
        %dma_start3A_478 = tpu.memref_slice %arg10[%dma_start3A_475, %dma_start3A_476, %dma_start3A_477] : memref<3x128x128xf32, #tpu.memory_space<vmem>> -> memref<1x128x128xf32, #tpu.memory_space<vmem>>
        %dma_start3A_479 = tpu.memref_squeeze %dma_start3A_478 : memref<1x128x128xf32, #tpu.memory_space<vmem>> -> memref<128x128xf32, #tpu.memory_space<vmem>>
        %dma_start3A_480 = arith.constant 0 : i32
        %dma_start3A_481 = tpu.memref_slice %arg9[%add3A_474, %dma_start3A_480] : memref<64x128xi32, #tpu.memory_space<vmem>> -> memref<1x128xi32, #tpu.memory_space<vmem>>
        %dma_start3A_482 = tpu.memref_squeeze %dma_start3A_481 : memref<1x128xi32, #tpu.memory_space<vmem>> -> memref<128xi32, #tpu.memory_space<vmem>>
        %dma_start3A_483 = arith.constant 0 : i32
        %dma_start3A_484 = arith.constant 0 : i32
        %dma_start3A_485 = tpu.memref_slice %arg3[%dma_start3A_483, %dma_start3A_484] : memref<100000x128xf32, #tpu.memory_space<hbm>> -> memref<100000x128xf32, #tpu.memory_space<hbm>>
        tpu.enqueue_indirect_dma source(%dma_start3A_485 : memref<100000x128xf32, #tpu.memory_space<hbm>>) target(%dma_start3A_479 : memref<128x128xf32, #tpu.memory_space<vmem>>) offsets(%dma_start3A_482 : memref<128xi32, #tpu.memory_space<vmem>>) semaphore(%arg15 : memref<!tpu.dma_semaphore, #tpu.memory_space<semaphore_mem>>)
        %dma_start3A_486 = arith.constant 1 : i32
        %dma_start3A_487 = arith.constant 0 : i32
        %dma_start3A_488 = arith.constant 0 : i32
        %dma_start3A_489 = tpu.memref_slice %arg11[%dma_start3A_486, %dma_start3A_487, %dma_start3A_488] : memref<3x128x128xf32, #tpu.memory_space<vmem>> -> memref<1x128x128xf32, #tpu.memory_space<vmem>>
        %dma_start3A_490 = tpu.memref_squeeze %dma_start3A_489 : memref<1x128x128xf32, #tpu.memory_space<vmem>> -> memref<128x128xf32, #tpu.memory_space<vmem>>
        %dma_start3A_491 = arith.constant 0 : i32
        %dma_start3A_492 = tpu.memref_slice %arg9[%add3A_474, %dma_start3A_491] : memref<64x128xi32, #tpu.memory_space<vmem>> -> memref<1x128xi32, #tpu.memory_space<vmem>>
        %dma_start3A_493 = tpu.memref_squeeze %dma_start3A_492 : memref<1x128xi32, #tpu.memory_space<vmem>> -> memref<128xi32, #tpu.memory_space<vmem>>
        %dma_start3A_494 = arith.constant 0 : i32
        %dma_start3A_495 = arith.constant 0 : i32
        %dma_start3A_496 = tpu.memref_slice %arg4[%dma_start3A_494, %dma_start3A_495] : memref<100000x128xf32, #tpu.memory_space<hbm>> -> memref<100000x128xf32, #tpu.memory_space<hbm>>
        tpu.enqueue_indirect_dma source(%dma_start3A_496 : memref<100000x128xf32, #tpu.memory_space<hbm>>) target(%dma_start3A_490 : memref<128x128xf32, #tpu.memory_space<vmem>>) offsets(%dma_start3A_493 : memref<128xi32, #tpu.memory_space<vmem>>) semaphore(%arg15 : memref<!tpu.dma_semaphore, #tpu.memory_space<semaphore_mem>>)
        %dma_start3A_497 = arith.constant 0 : i32
        %dma_start3A_498 = tpu.memref_slice %arg12[%add3A_474, %dma_start3A_497] : memref<64x128xi32, #tpu.memory_space<vmem>> -> memref<1x128xi32, #tpu.memory_space<vmem>>
        %dma_start3A_499 = tpu.memref_squeeze %dma_start3A_498 : memref<1x128xi32, #tpu.memory_space<vmem>> -> memref<128xi32, #tpu.memory_space<vmem>>
        %dma_start3A_500 = arith.constant 0 : i32
        %dma_start3A_501 = tpu.memref_slice %arg9[%add3A_474, %dma_start3A_500] : memref<64x128xi32, #tpu.memory_space<vmem>> -> memref<1x128xi32, #tpu.memory_space<vmem>>
        %dma_start3A_502 = tpu.memref_squeeze %dma_start3A_501 : memref<1x128xi32, #tpu.memory_space<vmem>> -> memref<128xi32, #tpu.memory_space<vmem>>
        %dma_start3A_503 = arith.constant 0 : i32
        %dma_start3A_504 = tpu.memref_slice %arg13[%dma_start3A_503] : memref<100000xi32, #tpu.memory_space<vmem_shared>> -> memref<100000xi32, #tpu.memory_space<vmem_shared>>
        tpu.enqueue_indirect_dma source(%dma_start3A_504 : memref<100000xi32, #tpu.memory_space<vmem_shared>>) target(%dma_start3A_499 : memref<128xi32, #tpu.memory_space<vmem>>) offsets(%dma_start3A_502 : memref<128xi32, #tpu.memory_space<vmem>>) semaphore(%arg20 : memref<!tpu.dma_semaphore, #tpu.memory_space<semaphore_mem>>)
      } else {
      }
      %add3A_435 = arith.constant 2 : i32
      %add3A_436 = arith.addi %mul3A_200, %add3A_435 : i32
      %add3A_437 = arith.addi %mul3A_2, %add3A_436 : i32
      %mul3A_438 = arith.constant 128 : i32
      %mul3A_439 = arith.muli %add3A_437, %mul3A_438 : i32
      %dma_wait3A_440 = arith.constant 2 : i32
      %dma_wait3A_441 = arith.constant 0 : i32
      %dma_wait3A_442 = arith.constant 0 : i32
      %dma_wait3A_443 = tpu.memref_slice %arg10[%dma_wait3A_440, %dma_wait3A_441, %dma_wait3A_442] : memref<3x128x128xf32, #tpu.memory_space<vmem>> -> memref<1x128x128xf32, #tpu.memory_space<vmem>>
      %dma_wait3A_444 = tpu.memref_squeeze %dma_wait3A_443 : memref<1x128x128xf32, #tpu.memory_space<vmem>> -> memref<128x128xf32, #tpu.memory_space<vmem>>
      %dma_wait3A_445 = arith.constant 0 : i32
      %dma_wait3A_446 = tpu.memref_slice %arg6[%mul3A_439, %dma_wait3A_445] : memref<262144x128xf32, #tpu.memory_space<hbm>> -> memref<128x128xf32, #tpu.memory_space<hbm>>
      %dma_wait3A_447 = arith.constant 0 : i32
      %dma_wait3A_448 = tpu.memref_slice %arg6[%mul3A_439, %dma_wait3A_447] : memref<262144x128xf32, #tpu.memory_space<hbm>> -> memref<128x128xf32, #tpu.memory_space<hbm>>
      %dma_wait3A_449 = arith.constant 0 : i32
      %dma_wait3A_450 = arith.constant 0 : i32
      %dma_wait3A_451 = tpu.memref_slice %arg10[%dma_wait3A_440, %dma_wait3A_449, %dma_wait3A_450] : memref<3x128x128xf32, #tpu.memory_space<vmem>> -> memref<1x128x128xf32, #tpu.memory_space<vmem>>
      %dma_wait3A_452 = tpu.memref_squeeze %dma_wait3A_451 : memref<1x128x128xf32, #tpu.memory_space<vmem>> -> memref<128x128xf32, #tpu.memory_space<vmem>>
      tpu.wait_dma2 semaphore(%arg19 : memref<!tpu.dma_semaphore, #tpu.memory_space<semaphore_mem>>) src(%dma_wait3A_452 : memref<128x128xf32, #tpu.memory_space<vmem>>) dst(%dma_wait3A_448 : memref<128x128xf32, #tpu.memory_space<hbm>>)
      %dma_wait3A_453 = arith.constant 2 : i32
      %dma_wait3A_454 = arith.constant 0 : i32
      %dma_wait3A_455 = arith.constant 0 : i32
      %dma_wait3A_456 = tpu.memref_slice %arg11[%dma_wait3A_453, %dma_wait3A_454, %dma_wait3A_455] : memref<3x128x128xf32, #tpu.memory_space<vmem>> -> memref<1x128x128xf32, #tpu.memory_space<vmem>>
      %dma_wait3A_457 = tpu.memref_squeeze %dma_wait3A_456 : memref<1x128x128xf32, #tpu.memory_space<vmem>> -> memref<128x128xf32, #tpu.memory_space<vmem>>
      %dma_wait3A_458 = arith.constant 0 : i32
      %dma_wait3A_459 = tpu.memref_slice %arg7[%mul3A_439, %dma_wait3A_458] : memref<262144x128xf32, #tpu.memory_space<hbm>> -> memref<128x128xf32, #tpu.memory_space<hbm>>
      %dma_wait3A_460 = arith.constant 0 : i32
      %dma_wait3A_461 = tpu.memref_slice %arg7[%mul3A_439, %dma_wait3A_460] : memref<262144x128xf32, #tpu.memory_space<hbm>> -> memref<128x128xf32, #tpu.memory_space<hbm>>
      %dma_wait3A_462 = arith.constant 0 : i32
      %dma_wait3A_463 = arith.constant 0 : i32
      %dma_wait3A_464 = tpu.memref_slice %arg11[%dma_wait3A_453, %dma_wait3A_462, %dma_wait3A_463] : memref<3x128x128xf32, #tpu.memory_space<vmem>> -> memref<1x128x128xf32, #tpu.memory_space<vmem>>
      %dma_wait3A_465 = tpu.memref_squeeze %dma_wait3A_464 : memref<1x128x128xf32, #tpu.memory_space<vmem>> -> memref<128x128xf32, #tpu.memory_space<vmem>>
      tpu.wait_dma2 semaphore(%arg19 : memref<!tpu.dma_semaphore, #tpu.memory_space<semaphore_mem>>) src(%dma_wait3A_465 : memref<128x128xf32, #tpu.memory_space<vmem>>) dst(%dma_wait3A_461 : memref<128x128xf32, #tpu.memory_space<hbm>>)
      %add3A_466 = arith.constant 3 : i32
      %add3A_467 = arith.addi %add3A_436, %add3A_466 : i32
      %lt3A_468 = arith.constant 64 : i32
      %lt3A_469 = arith.cmpi slt, %add3A_467, %lt3A_468 : i32
      %convert_element_type3A_470 = arith.extui %lt3A_469 : i1 to i32
      %cond3A_471 = arith.constant 0 : i32
      %cond3A_472 = arith.cmpi ne, %convert_element_type3A_470, %cond3A_471 : i32
      scf.if %cond3A_472 {
        %add3A_473 = arith.constant 3 : i32
        %add3A_474 = arith.addi %add3A_436, %add3A_473 : i32
        %dma_start3A_475 = arith.constant 2 : i32
        %dma_start3A_476 = arith.constant 0 : i32
        %dma_start3A_477 = arith.constant 0 : i32
        %dma_start3A_478 = tpu.memref_slice %arg10[%dma_start3A_475, %dma_start3A_476, %dma_start3A_477] : memref<3x128x128xf32, #tpu.memory_space<vmem>> -> memref<1x128x128xf32, #tpu.memory_space<vmem>>
        %dma_start3A_479 = tpu.memref_squeeze %dma_start3A_478 : memref<1x128x128xf32, #tpu.memory_space<vmem>> -> memref<128x128xf32, #tpu.memory_space<vmem>>
        %dma_start3A_480 = arith.constant 0 : i32
        %dma_start3A_481 = tpu.memref_slice %arg9[%add3A_474, %dma_start3A_480] : memref<64x128xi32, #tpu.memory_space<vmem>> -> memref<1x128xi32, #tpu.memory_space<vmem>>
        %dma_start3A_482 = tpu.memref_squeeze %dma_start3A_481 : memref<1x128xi32, #tpu.memory_space<vmem>> -> memref<128xi32, #tpu.memory_space<vmem>>
        %dma_start3A_483 = arith.constant 0 : i32
        %dma_start3A_484 = arith.constant 0 : i32
        %dma_start3A_485 = tpu.memref_slice %arg3[%dma_start3A_483, %dma_start3A_484] : memref<100000x128xf32, #tpu.memory_space<hbm>> -> memref<100000x128xf32, #tpu.memory_space<hbm>>
        tpu.enqueue_indirect_dma source(%dma_start3A_485 : memref<100000x128xf32, #tpu.memory_space<hbm>>) target(%dma_start3A_479 : memref<128x128xf32, #tpu.memory_space<vmem>>) offsets(%dma_start3A_482 : memref<128xi32, #tpu.memory_space<vmem>>) semaphore(%arg16 : memref<!tpu.dma_semaphore, #tpu.memory_space<semaphore_mem>>)
        %dma_start3A_486 = arith.constant 2 : i32
        %dma_start3A_487 = arith.constant 0 : i32
        %dma_start3A_488 = arith.constant 0 : i32
        %dma_start3A_489 = tpu.memref_slice %arg11[%dma_start3A_486, %dma_start3A_487, %dma_start3A_488] : memref<3x128x128xf32, #tpu.memory_space<vmem>> -> memref<1x128x128xf32, #tpu.memory_space<vmem>>
        %dma_start3A_490 = tpu.memref_squeeze %dma_start3A_489 : memref<1x128x128xf32, #tpu.memory_space<vmem>> -> memref<128x128xf32, #tpu.memory_space<vmem>>
        %dma_start3A_491 = arith.constant 0 : i32
        %dma_start3A_492 = tpu.memref_slice %arg9[%add3A_474, %dma_start3A_491] : memref<64x128xi32, #tpu.memory_space<vmem>> -> memref<1x128xi32, #tpu.memory_space<vmem>>
        %dma_start3A_493 = tpu.memref_squeeze %dma_start3A_492 : memref<1x128xi32, #tpu.memory_space<vmem>> -> memref<128xi32, #tpu.memory_space<vmem>>
        %dma_start3A_494 = arith.constant 0 : i32
        %dma_start3A_495 = arith.constant 0 : i32
        %dma_start3A_496 = tpu.memref_slice %arg4[%dma_start3A_494, %dma_start3A_495] : memref<100000x128xf32, #tpu.memory_space<hbm>> -> memref<100000x128xf32, #tpu.memory_space<hbm>>
        tpu.enqueue_indirect_dma source(%dma_start3A_496 : memref<100000x128xf32, #tpu.memory_space<hbm>>) target(%dma_start3A_490 : memref<128x128xf32, #tpu.memory_space<vmem>>) offsets(%dma_start3A_493 : memref<128xi32, #tpu.memory_space<vmem>>) semaphore(%arg16 : memref<!tpu.dma_semaphore, #tpu.memory_space<semaphore_mem>>)
        %dma_start3A_497 = arith.constant 0 : i32
        %dma_start3A_498 = tpu.memref_slice %arg12[%add3A_474, %dma_start3A_497] : memref<64x128xi32, #tpu.memory_space<vmem>> -> memref<1x128xi32, #tpu.memory_space<vmem>>
        %dma_start3A_499 = tpu.memref_squeeze %dma_start3A_498 : memref<1x128xi32, #tpu.memory_space<vmem>> -> memref<128xi32, #tpu.memory_space<vmem>>
        %dma_start3A_500 = arith.constant 0 : i32
        %dma_start3A_501 = tpu.memref_slice %arg9[%add3A_474, %dma_start3A_500] : memref<64x128xi32, #tpu.memory_space<vmem>> -> memref<1x128xi32, #tpu.memory_space<vmem>>
        %dma_start3A_502 = tpu.memref_squeeze %dma_start3A_501 : memref<1x128xi32, #tpu.memory_space<vmem>> -> memref<128xi32, #tpu.memory_space<vmem>>
        %dma_start3A_503 = arith.constant 0 : i32
        %dma_start3A_504 = tpu.memref_slice %arg13[%dma_start3A_503] : memref<100000xi32, #tpu.memory_space<vmem_shared>> -> memref<100000xi32, #tpu.memory_space<vmem_shared>>
        tpu.enqueue_indirect_dma source(%dma_start3A_504 : memref<100000xi32, #tpu.memory_space<vmem_shared>>) target(%dma_start3A_499 : memref<128xi32, #tpu.memory_space<vmem>>) offsets(%dma_start3A_502 : memref<128xi32, #tpu.memory_space<vmem>>) semaphore(%arg20 : memref<!tpu.dma_semaphore, #tpu.memory_space<semaphore_mem>>)
      } else {
      }
    }
    %scan3A_110 = arith.constant 21 : i32
    %dma_wait3A = arith.constant 63 : i32
    %dma_wait3A_111 = arith.constant 0 : i32
    %dma_wait3A_112 = arith.constant 0 : i32
    %dma_wait3A_113 = arith.constant 0 : i32
    %dma_wait3A_114 = tpu.memref_slice %arg10[%dma_wait3A_111, %dma_wait3A_112, %dma_wait3A_113] : memref<3x128x128xf32, #tpu.memory_space<vmem>> -> memref<1x128x128xf32, #tpu.memory_space<vmem>>
    %dma_wait3A_115 = tpu.memref_squeeze %dma_wait3A_114 : memref<1x128x128xf32, #tpu.memory_space<vmem>> -> memref<128x128xf32, #tpu.memory_space<vmem>>
    %dma_wait3A_116 = arith.constant 0 : i32
    %dma_wait3A_117 = tpu.memref_slice %arg9[%dma_wait3A, %dma_wait3A_116] : memref<64x128xi32, #tpu.memory_space<vmem>> -> memref<1x128xi32, #tpu.memory_space<vmem>>
    %dma_wait3A_118 = tpu.memref_squeeze %dma_wait3A_117 : memref<1x128xi32, #tpu.memory_space<vmem>> -> memref<128xi32, #tpu.memory_space<vmem>>
    %dma_wait3A_119 = arith.constant 0 : i32
    %dma_wait3A_120 = arith.constant 0 : i32
    %dma_wait3A_121 = tpu.memref_slice %arg3[%dma_wait3A_119, %dma_wait3A_120] : memref<100000x128xf32, #tpu.memory_space<hbm>> -> memref<100000x128xf32, #tpu.memory_space<hbm>>
    tpu.wait_indirect_dma semaphore(%arg14 : memref<!tpu.dma_semaphore, #tpu.memory_space<semaphore_mem>>) src(%dma_wait3A_121 : memref<100000x128xf32, #tpu.memory_space<hbm>>) dst(%dma_wait3A_115 : memref<128x128xf32, #tpu.memory_space<vmem>>)
    %dma_wait3A_122 = arith.constant 63 : i32
    %dma_wait3A_123 = arith.constant 0 : i32
    %dma_wait3A_124 = arith.constant 0 : i32
    %dma_wait3A_125 = arith.constant 0 : i32
    %dma_wait3A_126 = tpu.memref_slice %arg11[%dma_wait3A_123, %dma_wait3A_124, %dma_wait3A_125] : memref<3x128x128xf32, #tpu.memory_space<vmem>> -> memref<1x128x128xf32, #tpu.memory_space<vmem>>
    %dma_wait3A_127 = tpu.memref_squeeze %dma_wait3A_126 : memref<1x128x128xf32, #tpu.memory_space<vmem>> -> memref<128x128xf32, #tpu.memory_space<vmem>>
    %dma_wait3A_128 = arith.constant 0 : i32
    %dma_wait3A_129 = tpu.memref_slice %arg9[%dma_wait3A_122, %dma_wait3A_128] : memref<64x128xi32, #tpu.memory_space<vmem>> -> memref<1x128xi32, #tpu.memory_space<vmem>>
    %dma_wait3A_130 = tpu.memref_squeeze %dma_wait3A_129 : memref<1x128xi32, #tpu.memory_space<vmem>> -> memref<128xi32, #tpu.memory_space<vmem>>
    %dma_wait3A_131 = arith.constant 0 : i32
    %dma_wait3A_132 = arith.constant 0 : i32
    %dma_wait3A_133 = tpu.memref_slice %arg4[%dma_wait3A_131, %dma_wait3A_132] : memref<100000x128xf32, #tpu.memory_space<hbm>> -> memref<100000x128xf32, #tpu.memory_space<hbm>>
    tpu.wait_indirect_dma semaphore(%arg14 : memref<!tpu.dma_semaphore, #tpu.memory_space<semaphore_mem>>) src(%dma_wait3A_133 : memref<100000x128xf32, #tpu.memory_space<hbm>>) dst(%dma_wait3A_127 : memref<128x128xf32, #tpu.memory_space<vmem>>)
    %add3A_134 = arith.constant 63 : i32
    %add3A_135 = arith.addi %mul3A_2, %add3A_134 : i32
    %mul3A_136 = arith.constant 128 : i32
    %mul3A_137 = arith.muli %add3A_135, %mul3A_136 : i32
    %dma_start3A_138 = arith.constant 0 : i32
    %dma_start3A_139 = arith.constant 0 : i32
    %dma_start3A_140 = arith.constant 0 : i32
    %dma_start3A_141 = tpu.memref_slice %arg10[%dma_start3A_138, %dma_start3A_139, %dma_start3A_140] : memref<3x128x128xf32, #tpu.memory_space<vmem>> -> memref<1x128x128xf32, #tpu.memory_space<vmem>>
    %dma_start3A_142 = tpu.memref_squeeze %dma_start3A_141 : memref<1x128x128xf32, #tpu.memory_space<vmem>> -> memref<128x128xf32, #tpu.memory_space<vmem>>
    %dma_start3A_143 = arith.constant 0 : i32
    %dma_start3A_144 = tpu.memref_slice %arg6[%mul3A_137, %dma_start3A_143] : memref<262144x128xf32, #tpu.memory_space<hbm>> -> memref<128x128xf32, #tpu.memory_space<hbm>>
    %dma_start3A_145 = arith.constant 0 : i32
    %dma_start3A_146 = tpu.memref_slice %arg6[%mul3A_137, %dma_start3A_145] : memref<262144x128xf32, #tpu.memory_space<hbm>> -> memref<128x128xf32, #tpu.memory_space<hbm>>
    %dma_start3A_147 = arith.constant 0 : i32
    %dma_start3A_148 = arith.constant 0 : i32
    %dma_start3A_149 = tpu.memref_slice %arg10[%dma_start3A_138, %dma_start3A_147, %dma_start3A_148] : memref<3x128x128xf32, #tpu.memory_space<vmem>> -> memref<1x128x128xf32, #tpu.memory_space<vmem>>
    %dma_start3A_150 = tpu.memref_squeeze %dma_start3A_149 : memref<1x128x128xf32, #tpu.memory_space<vmem>> -> memref<128x128xf32, #tpu.memory_space<vmem>>
    tpu.enqueue_dma source(%dma_start3A_150 : memref<128x128xf32, #tpu.memory_space<vmem>>) target(%dma_start3A_146 : memref<128x128xf32, #tpu.memory_space<hbm>>) target_semaphore(%arg17 : memref<!tpu.dma_semaphore, #tpu.memory_space<semaphore_mem>>)
    %dma_start3A_151 = arith.constant 0 : i32
    %dma_start3A_152 = arith.constant 0 : i32
    %dma_start3A_153 = arith.constant 0 : i32
    %dma_start3A_154 = tpu.memref_slice %arg11[%dma_start3A_151, %dma_start3A_152, %dma_start3A_153] : memref<3x128x128xf32, #tpu.memory_space<vmem>> -> memref<1x128x128xf32, #tpu.memory_space<vmem>>
    %dma_start3A_155 = tpu.memref_squeeze %dma_start3A_154 : memref<1x128x128xf32, #tpu.memory_space<vmem>> -> memref<128x128xf32, #tpu.memory_space<vmem>>
    %dma_start3A_156 = arith.constant 0 : i32
    %dma_start3A_157 = tpu.memref_slice %arg7[%mul3A_137, %dma_start3A_156] : memref<262144x128xf32, #tpu.memory_space<hbm>> -> memref<128x128xf32, #tpu.memory_space<hbm>>
    %dma_start3A_158 = arith.constant 0 : i32
    %dma_start3A_159 = tpu.memref_slice %arg7[%mul3A_137, %dma_start3A_158] : memref<262144x128xf32, #tpu.memory_space<hbm>> -> memref<128x128xf32, #tpu.memory_space<hbm>>
    %dma_start3A_160 = arith.constant 0 : i32
    %dma_start3A_161 = arith.constant 0 : i32
    %dma_start3A_162 = tpu.memref_slice %arg11[%dma_start3A_151, %dma_start3A_160, %dma_start3A_161] : memref<3x128x128xf32, #tpu.memory_space<vmem>> -> memref<1x128x128xf32, #tpu.memory_space<vmem>>
    %dma_start3A_163 = tpu.memref_squeeze %dma_start3A_162 : memref<1x128x128xf32, #tpu.memory_space<vmem>> -> memref<128x128xf32, #tpu.memory_space<vmem>>
    tpu.enqueue_dma source(%dma_start3A_163 : memref<128x128xf32, #tpu.memory_space<vmem>>) target(%dma_start3A_159 : memref<128x128xf32, #tpu.memory_space<hbm>>) target_semaphore(%arg17 : memref<!tpu.dma_semaphore, #tpu.memory_space<semaphore_mem>>)
    %add3A_164 = arith.constant 63 : i32
    %add3A_165 = arith.addi %mul3A_2, %add3A_164 : i32
    %mul3A_166 = arith.constant 128 : i32
    %mul3A_167 = arith.muli %add3A_165, %mul3A_166 : i32
    %dma_wait3A_168 = arith.constant 0 : i32
    %dma_wait3A_169 = arith.constant 0 : i32
    %dma_wait3A_170 = arith.constant 0 : i32
    %dma_wait3A_171 = tpu.memref_slice %arg10[%dma_wait3A_168, %dma_wait3A_169, %dma_wait3A_170] : memref<3x128x128xf32, #tpu.memory_space<vmem>> -> memref<1x128x128xf32, #tpu.memory_space<vmem>>
    %dma_wait3A_172 = tpu.memref_squeeze %dma_wait3A_171 : memref<1x128x128xf32, #tpu.memory_space<vmem>> -> memref<128x128xf32, #tpu.memory_space<vmem>>
    %dma_wait3A_173 = arith.constant 0 : i32
    %dma_wait3A_174 = tpu.memref_slice %arg6[%mul3A_167, %dma_wait3A_173] : memref<262144x128xf32, #tpu.memory_space<hbm>> -> memref<128x128xf32, #tpu.memory_space<hbm>>
    %dma_wait3A_175 = arith.constant 0 : i32
    %dma_wait3A_176 = tpu.memref_slice %arg6[%mul3A_167, %dma_wait3A_175] : memref<262144x128xf32, #tpu.memory_space<hbm>> -> memref<128x128xf32, #tpu.memory_space<hbm>>
    %dma_wait3A_177 = arith.constant 0 : i32
    %dma_wait3A_178 = arith.constant 0 : i32
    %dma_wait3A_179 = tpu.memref_slice %arg10[%dma_wait3A_168, %dma_wait3A_177, %dma_wait3A_178] : memref<3x128x128xf32, #tpu.memory_space<vmem>> -> memref<1x128x128xf32, #tpu.memory_space<vmem>>
    %dma_wait3A_180 = tpu.memref_squeeze %dma_wait3A_179 : memref<1x128x128xf32, #tpu.memory_space<vmem>> -> memref<128x128xf32, #tpu.memory_space<vmem>>
    tpu.wait_dma2 semaphore(%arg17 : memref<!tpu.dma_semaphore, #tpu.memory_space<semaphore_mem>>) src(%dma_wait3A_180 : memref<128x128xf32, #tpu.memory_space<vmem>>) dst(%dma_wait3A_176 : memref<128x128xf32, #tpu.memory_space<hbm>>)
    %dma_wait3A_181 = arith.constant 0 : i32
    %dma_wait3A_182 = arith.constant 0 : i32
    %dma_wait3A_183 = arith.constant 0 : i32
    %dma_wait3A_184 = tpu.memref_slice %arg11[%dma_wait3A_181, %dma_wait3A_182, %dma_wait3A_183] : memref<3x128x128xf32, #tpu.memory_space<vmem>> -> memref<1x128x128xf32, #tpu.memory_space<vmem>>
    %dma_wait3A_185 = tpu.memref_squeeze %dma_wait3A_184 : memref<1x128x128xf32, #tpu.memory_space<vmem>> -> memref<128x128xf32, #tpu.memory_space<vmem>>
    %dma_wait3A_186 = arith.constant 0 : i32
    %dma_wait3A_187 = tpu.memref_slice %arg7[%mul3A_167, %dma_wait3A_186] : memref<262144x128xf32, #tpu.memory_space<hbm>> -> memref<128x128xf32, #tpu.memory_space<hbm>>
    %dma_wait3A_188 = arith.constant 0 : i32
    %dma_wait3A_189 = tpu.memref_slice %arg7[%mul3A_167, %dma_wait3A_188] : memref<262144x128xf32, #tpu.memory_space<hbm>> -> memref<128x128xf32, #tpu.memory_space<hbm>>
    %dma_wait3A_190 = arith.constant 0 : i32
    %dma_wait3A_191 = arith.constant 0 : i32
    %dma_wait3A_192 = tpu.memref_slice %arg11[%dma_wait3A_181, %dma_wait3A_190, %dma_wait3A_191] : memref<3x128x128xf32, #tpu.memory_space<vmem>> -> memref<1x128x128xf32, #tpu.memory_space<vmem>>
    %dma_wait3A_193 = tpu.memref_squeeze %dma_wait3A_192 : memref<1x128x128xf32, #tpu.memory_space<vmem>> -> memref<128x128xf32, #tpu.memory_space<vmem>>
    tpu.wait_dma2 semaphore(%arg17 : memref<!tpu.dma_semaphore, #tpu.memory_space<semaphore_mem>>) src(%dma_wait3A_193 : memref<128x128xf32, #tpu.memory_space<vmem>>) dst(%dma_wait3A_189 : memref<128x128xf32, #tpu.memory_space<hbm>>)
    %dma_wait3A_194 = arith.constant 0 : i32
    %dma_wait3A_195 = tpu.memref_slice %arg8[%mul3A_2, %dma_wait3A_194] : memref<2048x128xi32, #tpu.memory_space<hbm>> -> memref<64x128xi32, #tpu.memory_space<hbm>>
    %dma_wait3A_196 = arith.constant 0 : i32
    %dma_wait3A_197 = tpu.memref_slice %arg8[%mul3A_2, %dma_wait3A_196] : memref<2048x128xi32, #tpu.memory_space<hbm>> -> memref<64x128xi32, #tpu.memory_space<hbm>>
    tpu.wait_dma2 semaphore(%arg20 : memref<!tpu.dma_semaphore, #tpu.memory_space<semaphore_mem>>) src(%dma_wait3A_197 : memref<64x128xi32, #tpu.memory_space<hbm>>) dst(%arg12 : memref<64x128xi32, #tpu.memory_space<vmem>>)
    "tpu.region"() ({
      %run_scoped3A = tpu.sem_alloc : memref<!tpu.dma_semaphore, #tpu.memory_space<semaphore_mem>>
      %dma_start3A_198 = arith.constant 0 : i32
      %dma_start3A_199 = tpu.memref_slice %arg8[%mul3A_2, %dma_start3A_198] : memref<2048x128xi32, #tpu.memory_space<hbm>> -> memref<64x128xi32, #tpu.memory_space<hbm>>
      %dma_start3A_200 = arith.constant 0 : i32
      %dma_start3A_201 = tpu.memref_slice %arg8[%mul3A_2, %dma_start3A_200] : memref<2048x128xi32, #tpu.memory_space<hbm>> -> memref<64x128xi32, #tpu.memory_space<hbm>>
      tpu.enqueue_dma source(%arg12 : memref<64x128xi32, #tpu.memory_space<vmem>>) target(%dma_start3A_201 : memref<64x128xi32, #tpu.memory_space<hbm>>) target_semaphore(%run_scoped3A : memref<!tpu.dma_semaphore, #tpu.memory_space<semaphore_mem>>)
      %dma_wait3A_202 = arith.constant 0 : i32
      %dma_wait3A_203 = tpu.memref_slice %arg8[%mul3A_2, %dma_wait3A_202] : memref<2048x128xi32, #tpu.memory_space<hbm>> -> memref<64x128xi32, #tpu.memory_space<hbm>>
      %dma_wait3A_204 = arith.constant 0 : i32
      %dma_wait3A_205 = tpu.memref_slice %arg8[%mul3A_2, %dma_wait3A_204] : memref<2048x128xi32, #tpu.memory_space<hbm>> -> memref<64x128xi32, #tpu.memory_space<hbm>>
      tpu.wait_dma2 semaphore(%run_scoped3A : memref<!tpu.dma_semaphore, #tpu.memory_space<semaphore_mem>>) src(%arg12 : memref<64x128xi32, #tpu.memory_space<vmem>>) dst(%dma_wait3A_205 : memref<64x128xi32, #tpu.memory_space<hbm>>)
      tpu.yield
    }) : () -> ()
    return
  }
}

</mosaic_0001>

<sc_bundles>
// kernel: kernel.3.cloned.1.call-start
scs
__scs_entry_jumppad:
0x0: {  	(pc) =	sbr.rel $0x88, $3  }
0x1: {  	(tag) =	ssettag $0x0;
	lr =	simm.s32 $0x1  }
0x2: {  	[smem:$0x3F9D] =	sst lr;
	_ =	strace $0xD0000000  }
0x3: {  	_ = 	snop  }
0x4: {  	_ = 	snop  }
0x5: {  	_ = 	snop  }
0x6: {  	_ = 	snop  }
0x7: {  	_ = 	snop  }
__scs_overlays_trampoline_lowered:
0x8: {  	[smem:$0x3FAC] =	sst s0  }
0x9: {  	[smem:$0x3FAD] =	sst s1  }
0xa: {  	[smem:$0x3FAE] =	sst s2  }
0xb: {  	[smem:$0x3FAF] =	sst s3  }
0xc: {  	[smem:$0x3FB0] =	sst s4  }
0xd: {  	[smem:$0x3FB1] =	sst s5  }
0xe: {  	[smem:$0x3FB2] =	sst s6  }
0xf: {  	[smem:$0x3FB3] =	sst s7  }
0x10: {  	[smem:$0x3FB4] =	sst s8  }
0x11: {  	[smem:$0x3FB5] =	sst s9;
	s0 =	simm.s32 @!p0 $0x0  }
0x12: {  	s1 =	sld [smem:$0x3F9B];
	s0 =	simm.s32 @p0 $0x1  }
0x13: {  	[smem:$0x3FB6] =	sst s0;
	s0 =	simm.s32 @!p1 $0x0  }
0x14: {  	s2 =	sld [smem:$0x3F9A];
	s0 =	simm.s32 @p1 $0x1  }
0x15: {  	[smem:$0x3FB7] =	sst s0;
	s0 =	simm.s32 @!p2 $0x0  }
0x16: {  	s3 =	sld [smem:$0x3FDB];
	s0 =	simm.s32 @p2 $0x1  }
0x17: {  	s4 =	simm.s32 $0x1BF5;
	[smem:$0x3FB9] =	sst s0  }
0x18: {  	s0 =	sld [smem:$0x3F9C];
	_ =	swait.ge [sflag:s4], $0x0  }
0x19: {  	s7 =	sld [smem:$0x3F9D]  }
0x1a: {  	s8 =	sadd.s32 $0xFFFFE003, lr  }
0x1b: {  	s9 =	sadd.s32 $0xFFFFFEF7, lr;
	s5 =	simm.s32 $0xFFFFFFFF;
	p2 =	slt.u32 s8, $0xFFFFF086  }
0x1c: {  	p1 =	slt.u32 s9, $0xF7A;
	s5 =	simm.s32 @!p2 $0x0  }
0x1d: {  	s5 =	simm.s32 @p1 $0x1;
	p0 =	seq.s32 s7, s2  }
0x1e: {  	s7 =	smul.u32 @!p0 $0xF7A, s2;
	p2 =	seq.s32 @!p0 s5, $0x0  }
0x1f: {  	s9 =	smul.u32 $0xF7A, s1;
	s8 =	simm.s32 @!p0 $0x1BF5;
	p2 =	por !p2, p0  }
0x20: {  	[sflag:s8] =	ssyncset.s32 @!p0 $0xFFFFF086;
	s6 =	sadd.s32 @!p0 s3, s7;
	s7 =	simm.s32 @!p0 $0x108  }
0x21: {  	s3 =	sadd.s32 s3, s9;
	s6 =	sadd.s32 @!p0 $0x88, s6;
	s7 =	simm.s32 @p2 $0x1082  }
0x22: {  	[simem:s7], [sflag:s8] =	dma.local @!p0 [hbm:s6], $0xF7A  }
0x23: {  	s9 =	sor.u32 $0xD0000000, s2;
	s6 =	simm.s32 $0x108;
	_ =	swait.ge @!p0 [sflag:s8], $0x0  }
0x24: {  	s3 =	sadd.s32 $0x88, s3;
	s6 =	simm.s32 @!p1 $0x1082;
	[sflag:s4] =	ssyncset.s32 $0xFFFFF086  }
0x25: {  	[simem:s6], [sflag:s4] =	dma.local [hbm:s3], $0xF7A  }
0x26: {  	[smem:$0x3F9D] =	sst s1;
	(tag) =	ssettag s2;
	_ =	strace s9  }
0x27: {  	s1 =	sld [smem:$0x3FAD]  }
0x28: {  	s2 =	sld [smem:$0x3FAE]  }
0x29: {  	s4 =	sld [smem:$0x3FB0]  }
0x2a: {  	p0 =	seq.s32 s5, $0x0;
	s5 =	sld [smem:$0x3FB1]  }
0x2b: {  	s6 =	sld [smem:$0x3FB2]  }
0x2c: {  	s7 =	sld [smem:$0x3FB3]  }
0x2d: {  	s3 =	simm.s32 $0x108;
	s8 =	sld [smem:$0x3FB4]  }
0x2e: {  	s3 =	simm.s32 @!p0 $0x1082;
	s9 =	sld [smem:$0x3FB5]  }
0x2f: {  	lr =	sadd.s32 s0, s3;
	s0 =	sld [smem:$0x3FAC]  }
0x30: {  	s3 =	sld [smem:$0x3FAF]  }
0x31: {  	[smem:$0x3FB8] =	sst s10  }
0x32: {  	s10 =	sld [smem:$0x3FB6];
	_ =	sdelay $0x3  }
0x33: {  	p0 =	seq.s32 s10, $0x1;
	s10 =	sld [smem:$0x3FB8];
	_ =	sdelay $0x3  }
0x34: {  	[smem:$0x3FB8] =	sst s10  }
0x35: {  	s10 =	sld [smem:$0x3FB7];
	_ =	sdelay $0x3  }
0x36: {  	p1 =	seq.s32 s10, $0x1;
	s10 =	sld [smem:$0x3FB8];
	_ =	sdelay $0x3  }
0x37: {  	[smem:$0x3FB8] =	sst s10  }
0x38: {  	s10 =	sld [smem:$0x3FB9]  }
0x39: {  	_ = 	snop;
	(pc) =	sbr.ind lr, $3  }
0x3a: {  	_ = 	snop  }
0x3b: {  	_ = 	snop  }
0x3c: {  	p2 =	seq.s32 s10, $0x1;
	s10 =	sld [smem:$0x3FB8]  }
0x3d: {  	_ =	shalt  }
0x3e: {  	_ =	shalt  }
0x3f: {  	_ =	shalt  }
0x40: {  	_ =	shalt  }
0x41: {  	_ =	shalt  }
0x42: {  	_ =	shalt  }
0x43: {  	_ =	shalt  }
0x44: {  	_ =	shalt  }
0x45: {  	_ =	shalt  }
0x46: {  	_ =	shalt  }
0x47: {  	_ =	shalt  }
0x48: {  	_ =	shalt  }
0x49: {  	_ =	shalt  }
0x4a: {  	_ =	shalt  }
0x4b: {  	_ =	shalt  }
0x4c: {  	_ =	shalt  }
0x4d: {  	_ =	shalt  }
0x4e: {  	_ =	shalt  }
0x4f: {  	_ =	shalt  }
0x50: {  	_ =	shalt  }
0x51: {  	_ =	shalt  }
0x52: {  	_ =	shalt  }
0x53: {  	_ =	shalt  }
0x54: {  	_ =	shalt  }
0x55: {  	_ =	shalt  }
0x56: {  	_ =	shalt  }
0x57: {  	_ =	shalt  }
0x58: {  	_ =	shalt  }
0x59: {  	_ =	shalt  }
0x5a: {  	_ =	shalt  }
0x5b: {  	_ =	shalt  }
0x5c: {  	_ =	shalt  }
0x5d: {  	_ =	shalt  }
0x5e: {  	_ =	shalt  }
0x5f: {  	_ =	shalt  }
0x60: {  	_ =	shalt  }
0x61: {  	_ =	shalt  }
0x62: {  	_ =	shalt  }
0x63: {  	_ =	shalt  }
0x64: {  	_ =	shalt  }
0x65: {  	_ =	shalt  }
0x66: {  	_ =	shalt  }
0x67: {  	_ =	shalt  }
0x68: {  	_ =	shalt  }
0x69: {  	_ =	shalt  }
0x6a: {  	_ =	shalt  }
0x6b: {  	_ =	shalt  }
0x6c: {  	_ =	shalt  }
0x6d: {  	_ =	shalt  }
0x6e: {  	_ =	shalt  }
0x6f: {  	_ =	shalt  }
0x70: {  	_ =	shalt  }
0x71: {  	_ =	shalt  }
0x72: {  	_ =	shalt  }
0x73: {  	_ =	shalt  }
0x74: {  	_ =	shalt  }
0x75: {  	_ =	shalt  }
0x76: {  	_ =	shalt  }
0x77: {  	_ =	shalt  }
0x78: {  	_ =	shalt  }
0x79: {  	_ =	shalt  }
0x7a: {  	_ =	shalt  }
0x7b: {  	_ =	shalt  }
0x7c: {  	_ =	shalt  }
0x7d: {  	_ =	shalt  }
0x7e: {  	_ =	shalt  }
0x7f: {  	_ =	shalt  }
0x80: {  	_ =	shalt  }
0x81: {  	_ =	shalt  }
0x82: {  	_ =	shalt  }
0x83: {  	_ =	shalt  }
0x84: {  	_ =	shalt  }
0x85: {  	_ =	shalt  }
0x86: {  	_ =	shalt  }
0x87: {  	_ =	shalt  }
.Lfunc_end0:
.L_simem_size_0:
called_computation_lowered:
.L_overlay_start_0:
0x88: {  	s2 =	sld [smem:$0x3FD9]  }
0x89: {  	s3 =	sld [smem:$0x3FFE];
	_ =	sdelay $0x1  }
0x8a: {  	s1 =	srdreg.scid  }
0x8b: {  	s0 =	sand.u32 $0x1, s1  }
0x8c: {  	s15 =	sshll.u32 s0, $0xA;
	s2 =	sadd.s32 s3, s2  }
0x8d: {  	s2 =	sadd.s32 s2, s15  }
0x8e: {  	[smem:$0x3FC4] =	sst s2  }
0x8f: {  	_ = 	snop  }
0x90: {  	s2 =	sld [smem:$0x3FC9]  }
0x91: {  	s16 =	sld [smem:$0x3FD0]  }
0x92: {  	s4 =	sld [smem:$0x3FC8]  }
0x93: {  	s5 =	sld [smem:$0x3FC7]  }
0x94: {  	s7 =	simm.s32 $0xA;
	s8 =	simm.s32 $0x10;
	s6 =	sld [smem:$0x3FC6]  }
0x95: {  	[smem:s8], [sflag:s7] =	dma.local [hbm:s16], $0x1  }
0x96: {  	_ =	swait.eq [sflag:s7], $0x1  }
0x97: {  	s17 =	sld [smem:$0x10];
	[sflag:s7] =	ssyncset.done $0x0  }
0x98: {  	s18 =	sld [smem:$0x11];
	[sflag:s7] =	ssyncadd.s32 $0xFFFFFFFF  }
0x99: {  	s19 =	sld [smem:$0x12];
	(tm) =	ssettm $0x1  }
0x9a: {  	s9 =	sld [smem:$0x3FFB];
	_ =	sdelay $0x3  }
0x9b: {  	_ =	strace s9  }
0x9c: {  	s9 =	sld [smem:$0x3FFC];
	_ =	sdelay $0x3  }
0x9d: {  	_ =	strace s9  }
0x9e: {  	s9 =	sld [smem:$0x3FFD];
	_ =	sdelay $0x3  }
0x9f: {  	_ =	strace s9  }
0xa0: {  	_ =	strace $0x8FFFFFFF  }
0xa1: {  	s20 =	sld [smem:$0x3FDB];
	_ =	sdelay $0x1  }
0xa2: {  	s10 =	simm.s32 $_scs_section_size  }
0xa3: {  	s11 =	simm.s32 $_size__tile_overlayer_lowered;
	s12 =	simm.s32 $_tile_overlayer_lowered  }
0xa4: {  	s23 =	simm.s32 $0x1BFF;
	s22 =	sshll.u32 s12, $0x1;
	s9 =	sadd.s32 s10, s20  }
0xa5: {  	s13 =	simm.s32 $0x0;
	s21 =	sshll.u32 s11, $0x1;
	s11 =	sadd.s32 s22, s9  }
0xa6: {  	[timem:s13], [sflag:s23] =	dma.local [hbm:s11], s21  }
0xa7: {  	_ =	swait.ge [sflag:s23], s21  }
0xa8: {  	s10 =	ssub.s32 $0x0, s21;
	[sflag:s23] =	ssyncset.done $0x0  }
0xa9: {  	[sflag:s23] =	ssyncadd.s32 s10;
	_ =	sdelay $0x1  }
0xaa: {  	s24 =	simm.s32 $0x1B8B  }
0xab: {  	_ =	swait.ge [sflag:s24], $0x1  }
0xac: {  	[sflag:s24] =	ssyncset.done $0x0  }
0xad: {  	s25 =	simm.s32 $0x1B8E;
	[sflag:s24] =	ssyncadd.s32 $0xFFFFFFFF  }
0xae: {  	s26 =	simm.s32 $execute0_lowered;
	[smem:$0x3FD2] =	sst s25  }
0xaf: {  	s10 =	sshll.u32 s26, $0x1;
	_ =	strace $0x80000046;
	[dreg:$0x1] =	wrdreg $0xFFFFFFFF  }
0xb0: {  	s28 =	simm.s32 $_size_execute0_lowered;
	s9 =	sadd.s32 s9, s10;
	[dreg:$0x0] =	wrdreg $0x0  }
0xb1: {  	s10 =	sshll.u32 s28, $0x1;
	[dreg:$0x2] =	wrdreg s9  }
0xb2: {  	[dreg:$0x3] =	wrdreg s10  }
0xb3: {  	[dreg:$0x4] =	wrdreg $0xC0  }
0xb4: {  	_ =	task [dreg:s13], $0x5FFFF  }
0xb5: {  	[dreg:$0x1] =	wrdreg $0xFFFFFFFF  }
0xb6: {  	[dreg:$0x0] =	wrdreg $0x60  }
0xb7: {  	[dreg:$0x2] =	wrdreg s2  }
0xb8: {  	[dreg:$0x3] =	wrdreg s4  }
0xb9: {  	[dreg:$0x4] =	wrdreg s5  }
0xba: {  	[dreg:$0x5] =	wrdreg s6  }
0xbb: {  	[dreg:$0x6] =	wrdreg s17  }
0xbc: {  	[dreg:$0x7] =	wrdreg s18  }
0xbd: {  	[dreg:$0x8] =	wrdreg s19  }
0xbe: {  	[dreg:$0x9] =	wrdreg $0x1C0000  }
0xbf: {  	[dreg:$0xa] =	wrdreg $0x9  }
0xc0: {  	_ =	task.clear_ibuf [dreg:s13], $0xBFFFF;
	_ =	strace $0x90000046  }
0xc1: {  	s29 =	simm.s32 $0x9;
	_ =	strace $0x80000048  }
0xc2: {  	_ =	swait.ge [sflag:s29], $0x1  }
0xc3: {  	[sflag:s29] =	ssyncadd.s32 $0xFFFFFFFF  }
0xc4: {  	_ =	strace $0x90000048  }
0xc5: {  	_ =	sfence  }
0xc6: {  	s30 =	sld [smem:$0x0];
	_ =	sdelay $0x2  }
0xc7: {  	s31 =	sshll.u32 s1, $0xD;
	s1 =	sshrl.u32 s1, $0x2  }
0xc8: {  	s3 =	sand.u32 $0x4000, s31;
	s1 =	sadd.s32 s1, s30  }
0xc9: {  	s0 =	sor.u32 s3, s0;
	s1 =	sshll.u32 s1, $0x11  }
0xca: {  	s0 =	sor.u32 s1, s0  }
0xcb: {  	s0 =	sadd.s32 $0x8F2B, s0  }
0xcc: {  	[sflag:s0] =	ssyncadd.remote.s32 $0x1  }
0xcd: {  	_ =	sfence.sel $0xFFFF  }
0xce: {  	[dreg:$0x0] =	wrdreg $0xFFFFFFFF;
	(pc) =	sbr.abs _section_cstart, $3  }
0xcf: {  	[dreg:$0x1] =	wrdreg $0xFFFFFFFF  }
0xd0: {  	_ =	task.clear_ibuf [dreg:s13], $0x2FFFF;
	_ =	strace $0x9FFFFFFF  }
0xd1: {  	(tm) =	ssettm $0x7FFFFFFF  }
tec
execute0_lowered:
.L_overlay_start_1:
0x0: {  	(tag) =	ssettag $0x1  }
0x1: {  	s2 =	rddreg [dreg:$0x0]  }
0x2: {  	s0 =	rddreg [dreg:$0x1]  }
0x3: {  	s1 =	rddreg [dreg:$0x2]  }
0x4: {  	s3 =	rddreg [dreg:$0x4]  }
0x5: {  	s6 =	rddreg [dreg:$0x5]  }
0x6: {  	s7 =	rddreg [dreg:$0x6]  }
0x7: {  	s4 =	rddreg [dreg:$0x7];
	s5 =	srdreg.scid  }
0x8: {  	s13 =	stileid.u32;
	s14 =	simm.s32 $0x8;
	s15 =	simm.s32 $0x80  }
0x9: {  	s16 =	simm.s32 $0x2000;
	s17 =	simm.s32 $0xE000;
	s28 =	simm.s32 $0x2  }
0xa: {  	s29 =	simm.s32 $0x3;
	s30 =	simm.s32 $0x4;
	s31 =	simm.s32 $0x5  }
0xb: {  	s11 =	sand.u32 $0x1, s5;
	s5 =	simm.s32 $0x0;
	s8 =	sshll.u32 s13, $0x7  }
0xc: {  	s25 =	sshll.u32 s13, $0x12;
	p0 =	sne.s32 s13, $0x0;
	s9 =	sshll.u32 s11, $0x6  }
0xd: {  	[smem:$0x7FF] =	sst s5;
	s10 =	ssub.s32 $0x2, s11;
	s26 =	sshll.u32 s11, $0x11  }
0xe: {  	s13 =	sshrl.u32 @!p0 s4, $0x3;
	s8 =	sor.u32 s9, s8;
	_ =	strace $0x80000047  }
0xf: {  	s18 =	sshrl.u32 s10, $0x1;
	s12 =	sshll.u32 s8, $0xB;
	s19 =	sshll.u32 s8, $0x4  }
0x10: {  	s10 =	ssub.s32 s10, s18;
	s18 =	simm.s32 $0x6000;
	s2 =	sadd.s32 s2, s19  }
0x11: {  	s20 =	sor.u32 $0x1F800, s12;
	s23 =	sadd.s32 s7, s19;
	[dreg:$0x9] =	wrdreg s2  }
0x12: {  	s24 =	smax.u32 s10, $0x1;
	s19 =	simm.s32 $0x12000;
	[dreg:$0xc] =	wrdreg s23  }
0x13: {  	s21 =	sadd.s32 s3, s20;
	s22 =	sadd.s32 s6, s20;
	[dreg:$0xd] =	wrdreg s24  }
.Ltmp0:
0x14: {  	s6 =	sadd.s32 s25, s6;
	s2 =	sadd.s32 s25, s3;
	(pc) =	sbr.rel .LBB2_1-.Ltmp0, $4  }
0x15: {  	s20 =	simm.s32 $0x100;
	s23 =	simm.s32 $0x1A000;
	[dreg:$0xa] =	wrdreg s21  }
0x16: {  	s3 =	simm.s32 $0x6;
	s24 =	simm.s32 $0x0;
	[dreg:$0xb] =	wrdreg s22  }
0x17: {  	s11 =	sadd.s32 s26, s6;
	s12 =	sadd.s32 s26, s2;
	s21 =	simm.s32 $0xA000  }
0x18: {  	s22 =	simm.s32 $0x16000;
	s26 =	simm.s32 $0x1;
	s2 =	simm.s32 $0x7  }
.LBB2_4:
0x19: {  	_ =	swait.ge [sflag:s3], $0x4000  }
0x1a: {  	[sflag:s3] =	ssyncset.done $0x0  }
0x1b: {  	[sflag:s3] =	ssyncadd.s32 $0xFFFFC000  }
0x1c: {  	_ =	swait.ge [sflag:s3], $0x4000  }
0x1d: {  	[sflag:s3] =	ssyncset.done $0x0  }
0x1e: {  	[sflag:s3] =	ssyncadd.s32 $0xFFFFC000  }
0x1f: {  	_ =	swait.ge [sflag:s26], $0x4000  }
0x20: {  	[sflag:s26] =	ssyncset.done $0x0  }
0x21: {  	[sflag:s26] =	ssyncadd.s32 $0xFFFFC000  }
0x22: {  	_ =	swait.ge [sflag:s26], $0x4000  }
0x23: {  	[sflag:s26] =	ssyncset.done $0x0  }
0x24: {  	s6 =	rddreg [dreg:$0xa];
	[sflag:s26] =	ssyncadd.s32 $0xFFFFC000  }
0x25: {  	[hbm4b:s6+s5] =	stream.linear.scatter [tilespmem:s16], [sflag:$0x4], $0x4000, $0x38;
	[tilespmem:$0x1D870] =	vst v63  }
0x26: {  	s9 =	rddreg [dreg:$0xb]  }
0x27: {  	[hbm4b:s9+s5] =	stream.linear.scatter [tilespmem:s17], [sflag:$0x4], $0x4000, $0x38;
	[tilespmem:$0x1D870] =	vst v63  }
0x28: {  	_ =	swait.ge [sflag:s30], $0x4000  }
0x29: {  	[sflag:s30] =	ssyncset.done $0x0  }
0x2a: {  	[sflag:s30] =	ssyncadd.s32 $0xFFFFC000  }
0x2b: {  	_ =	swait.ge [sflag:s30], $0x4000  }
0x2c: {  	[sflag:s30] =	ssyncset.done $0x0  }
0x2d: {  	[sflag:s30] =	ssyncadd.s32 $0xFFFFC000  }
0x2e: {  	_ =	swait.ge [sflag:s2], $0x2000  }
0x2f: {  	[sflag:s2] =	ssyncset.done $0x0  }
0x30: {  	s10 =	rddreg [dreg:$0xc];
	[sflag:s2] =	ssyncadd.s32 $0xFFFFE000  }
0x31: {  	[hbm4b:s10+s5] =	stream.linear.scatter [tilespmem:s23], [sflag:$0x8], $0x2000, $0x38;
	[tilespmem:$0x1D870] =	vst v63  }
0x32: {  	_ =	swait.ge [sflag:s14], $0x2000  }
0x33: {  	s24 =	sadd.s32 $0x1, s24;
	s25 =	rddreg [dreg:$0xd]  }
0x34: {  	p1 =	sne.s32 s24, s25  }
.Ltmp1:
0x35: {  	_ = 	snop;
	(pc) =	sbr.rel @!p1 .LBB2_5-.Ltmp1, $3  }
0x36: {  	_ =	sdelay $0x1  }
0x37: {  	[sflag:s14] =	ssyncset.done $0x0  }
0x38: {  	[sflag:s14] =	ssyncadd.s32 $0xFFFFE000  }
.LBB2_1:
0x39: {  	s6 =	simm.s32 @!p0 $0x1C08;
	s7 =	rddreg [dreg:$0x3]  }
0x3a: {  	[spmem:s13], [sflag:s6] =	dma.local @!p0 [hbm:s7], $0x30E0  }
0x3b: {  	s6 =	simm.s32 @!p0 $0x8  }
0x3c: {  	_ =	swait.ge @!p0 [sflag:s6], $0x30E0  }
0x3d: {  	[sflag:s6] =	ssyncset.done @!p0 $0x0  }
0x3e: {  	s9 =	rddreg [dreg:$0x9];
	[sflag:s6] =	ssyncadd.s32 @!p0 $0xFFFFCF20  }
0x3f: {  	[tilespmem:s5], [sflag:$0x8] =	stream.linear.gather [hbm4b:s9+s5], $0x2000, $0x38;
	[tilespmem:$0x1D870] =	vst v63  }
0x40: {  	_ =	swait.ge [sflag:s14], $0x2000  }
0x41: {  	[sflag:s14] =	ssyncset.done $0x0  }
0x42: {  	[sflag:s14] =	ssyncadd.s32 $0xFFFFE000  }
0x43: {  	[tilespmem:s16], [sflag:$0x1] =	stream.indirect.gather [hbm4b:s0+s15], $0x80, s5, s15, $0xb8;
	[tilespmem:$0x1D870] =	vst v63  }
0x44: {  	_ = 	snop  }
0x45: {  	[tilespmem:s17], [sflag:$0x1] =	stream.indirect.gather [hbm4b:s1+s15], $0x80, s5, s15, $0xb8;
	[tilespmem:$0x1D870] =	vst v63  }
0x46: {  	_ = 	snop  }
0x47: {  	[tilespmem:s18], [sflag:$0x2] =	stream.indirect.gather [hbm4b:s0+s15], $0x80, s15, s15, $0xb8;
	[tilespmem:$0x1D870] =	vst v63  }
0x48: {  	_ = 	snop  }
0x49: {  	[tilespmem:s19], [sflag:$0x2] =	stream.indirect.gather [hbm4b:s1+s15], $0x80, s15, s15, $0xb8;
	[tilespmem:$0x1D870] =	vst v63  }
0x4a: {  	_ = 	snop  }
0x4b: {  	[tilespmem:s21], [sflag:$0x3] =	stream.indirect.gather [hbm4b:s0+s15], $0x80, s20, s15, $0xb8;
	[tilespmem:$0x1D870] =	vst v63  }
0x4c: {  	_ = 	snop  }
0x4d: {  	[tilespmem:s22], [sflag:$0x3] =	stream.indirect.gather [hbm4b:s1+s15], $0x80, s20, s15, $0xb8;
	[tilespmem:$0x1D870] =	vst v63  }
0x4e: {  	[bflag:$0x0] =	sbarrier.arrive $0xFFFF  }
0x4f: {  	[tilespmem:s23], [sflag:$0x7] =	stream.indirect.gather [spmem:s4], $0x1, s5, s15, $0xb8;
	[tilespmem:$0x1D870] =	vst v63  }
0x50: {  	s10 =	simm.s32 $0x1A080  }
0x51: {  	[tilespmem:s10], [sflag:$0x7] =	stream.indirect.gather [spmem:s4], $0x1, s15, s15, $0xb8;
	[tilespmem:$0x1D870] =	vst v63  }
0x52: {  	s25 =	simm.s32 $0x1A100  }
0x53: {  	[tilespmem:s25], [sflag:$0x7] =	stream.indirect.gather [spmem:s4], $0x1, s20, s15, $0xb8;
	[tilespmem:$0x1D870] =	vst v63  }
0x54: {  	s7 =	simm.s32 $0x0;
	s6 =	simm.s32 $0x280;
	s25 =	simm.s32 $0x1A280  }
.LBB2_2:
0x55: {  	_ =	swait.ge [sflag:s26], $0x4000  }
0x56: {  	[sflag:s26] =	ssyncset.done $0x0  }
0x57: {  	[sflag:s26] =	ssyncadd.s32 $0xFFFFC000  }
0x58: {  	_ =	swait.ge [sflag:s26], $0x4000  }
0x59: {  	[sflag:s26] =	ssyncset.done $0x0  }
0x5a: {  	s8 =	sadd.s32 s7, s12;
	[sflag:s26] =	ssyncadd.s32 $0xFFFFC000  }
0x5b: {  	[hbm4b:s8+s5] =	stream.linear.scatter [tilespmem:s16], [sflag:$0x4], $0x4000, $0x38;
	[tilespmem:$0x1D870] =	vst v63  }
0x5c: {  	s9 =	sadd.s32 s7, s11  }
0x5d: {  	[hbm4b:s9+s5] =	stream.linear.scatter [tilespmem:s17], [sflag:$0x4], $0x4000, $0x38;
	[tilespmem:$0x1D870] =	vst v63  }
0x5e: {  	_ =	swait.ge [sflag:s28], $0x4000  }
0x5f: {  	[sflag:s28] =	ssyncset.done $0x0  }
0x60: {  	[sflag:s28] =	ssyncadd.s32 $0xFFFFC000  }
0x61: {  	_ =	swait.ge [sflag:s28], $0x4000  }
0x62: {  	[sflag:s28] =	ssyncset.done $0x0  }
0x63: {  	s10 =	sadd.s32 $0x800, s8;
	[sflag:s28] =	ssyncadd.s32 $0xFFFFC000  }
0x64: {  	[hbm4b:s10+s5] =	stream.linear.scatter [tilespmem:s18], [sflag:$0x5], $0x4000, $0x38;
	[tilespmem:$0x1D870] =	vst v63  }
0x65: {  	s10 =	sadd.s32 $0x800, s9  }
0x66: {  	[hbm4b:s10+s5] =	stream.linear.scatter [tilespmem:s19], [sflag:$0x5], $0x4000, $0x38;
	[tilespmem:$0x1D870] =	vst v63  }
0x67: {  	_ =	swait.ge [sflag:s29], $0x4000  }
0x68: {  	[sflag:s29] =	ssyncset.done $0x0  }
0x69: {  	[sflag:s29] =	ssyncadd.s32 $0xFFFFC000  }
0x6a: {  	_ =	swait.ge [sflag:s29], $0x4000  }
0x6b: {  	[sflag:s29] =	ssyncset.done $0x0  }
0x6c: {  	s8 =	sadd.s32 $0x1000, s8;
	[sflag:s29] =	ssyncadd.s32 $0xFFFFC000  }
0x6d: {  	[hbm4b:s8+s5] =	stream.linear.scatter [tilespmem:s21], [sflag:$0x6], $0x4000, $0x38;
	[tilespmem:$0x1D870] =	vst v63  }
0x6e: {  	s10 =	sadd.s32 $0x1000, s9  }
0x6f: {  	[hbm4b:s10+s5] =	stream.linear.scatter [tilespmem:s22], [sflag:$0x6], $0x4000, $0x38;
	[tilespmem:$0x1D870] =	vst v63  }
0x70: {  	_ =	swait.ge [sflag:s30], $0x4000  }
0x71: {  	[sflag:s30] =	ssyncset.done $0x0  }
0x72: {  	[sflag:s30] =	ssyncadd.s32 $0xFFFFC000  }
0x73: {  	_ =	swait.ge [sflag:s30], $0x4000  }
0x74: {  	[sflag:s30] =	ssyncset.done $0x0  }
0x75: {  	s9 =	sadd.s32 $0xFFFFFF00, s6;
	[sflag:s30] =	ssyncadd.s32 $0xFFFFC000  }
0x76: {  	[tilespmem:s16], [sflag:$0x1] =	stream.indirect.gather [hbm4b:s0+s15], $0x80, s9, s15, $0xb8;
	[tilespmem:$0x1D870] =	vst v63  }
0x77: {  	_ = 	snop  }
0x78: {  	[tilespmem:s17], [sflag:$0x1] =	stream.indirect.gather [hbm4b:s1+s15], $0x80, s9, s15, $0xb8;
	[tilespmem:$0x1D870] =	vst v63  }
0x79: {  	s10 =	sadd.s32 $0xFFFFFF00, s25  }
0x7a: {  	[tilespmem:s10], [sflag:$0x7] =	stream.indirect.gather [spmem:s4], $0x1, s9, s15, $0xb8;
	[tilespmem:$0x1D870] =	vst v63  }
0x7b: {  	p1 =	seq.s32 s7, $0x1E000;
	_ =	swait.ge [sflag:s31], $0x4000  }
.Ltmp2:
0x7c: {  	[sflag:s31] =	ssyncset.done $0x0;
	(pc) =	sbr.rel @p1 .LBB2_4-.Ltmp2, $4  }
0x7d: {  	[sflag:s31] =	ssyncadd.s32 $0xFFFFC000  }
0x7e: {  	_ =	swait.ge [sflag:s31], $0x4000  }
0x7f: {  	[sflag:s31] =	ssyncset.done $0x0  }
0x80: {  	[sflag:s31] =	ssyncadd.s32 $0xFFFFC000  }
0x81: {  	s8 =	sadd.s32 $0xFFFFFF80, s6  }
0x82: {  	[tilespmem:s18], [sflag:$0x2] =	stream.indirect.gather [hbm4b:s0+s15], $0x80, s8, s15, $0xb8;
	[tilespmem:$0x1D870] =	vst v63  }
0x83: {  	_ = 	snop  }
0x84: {  	[tilespmem:s19], [sflag:$0x2] =	stream.indirect.gather [hbm4b:s1+s15], $0x80, s8, s15, $0xb8;
	[tilespmem:$0x1D870] =	vst v63  }
0x85: {  	s9 =	sadd.s32 $0xFFFFFF80, s25  }
0x86: {  	[tilespmem:s9], [sflag:$0x7] =	stream.indirect.gather [spmem:s4], $0x1, s8, s15, $0xb8;
	[tilespmem:$0x1D870] =	vst v63  }
0x87: {  	_ =	swait.ge [sflag:s3], $0x4000  }
0x88: {  	[sflag:s3] =	ssyncset.done $0x0  }
0x89: {  	[sflag:s3] =	ssyncadd.s32 $0xFFFFC000  }
0x8a: {  	_ =	swait.ge [sflag:s3], $0x4000  }
0x8b: {  	[sflag:s3] =	ssyncset.done $0x0  }
0x8c: {  	[sflag:s3] =	ssyncadd.s32 $0xFFFFC000  }
0x8d: {  	[tilespmem:s21], [sflag:$0x3] =	stream.indirect.gather [hbm4b:s0+s15], $0x80, s6, s15, $0xb8;
	[tilespmem:$0x1D870] =	vst v63  }
.Ltmp3:
0x8e: {  	_ = 	snop;
	(pc) =	sbr.rel .LBB2_2-.Ltmp3, $4  }
0x8f: {  	[tilespmem:s22], [sflag:$0x3] =	stream.indirect.gather [hbm4b:s1+s15], $0x80, s6, s15, $0xb8;
	[tilespmem:$0x1D870] =	vst v63  }
0x90: {  	_ = 	snop  }
0x91: {  	[tilespmem:s25], [sflag:$0x7] =	stream.indirect.gather [spmem:s4], $0x1, s6, s15, $0xb8;
	[tilespmem:$0x1D870] =	vst v63  }
0x92: {  	s7 =	sadd.s32 $0x1800, s7;
	s25 =	sadd.s32 $0x180, s25;
	s6 =	sadd.s32 $0x180, s6  }
.LBB2_5:
0x93: {  	_ =	sfence.sel $0x180000  }
0x94: {  	[bflag:$0x0] =	sbarrier.arrive $0xFFFF  }
0x95: {  	_ =	strace $0x90000047  }
0x96: {  	[bflag:$0x2] =	sbarrier.arrive $0xFFFF  }
0x97: {  	s0 =	rddreg [dreg:$0x8]  }
0x98: {  	s0 =	sadd.s32 @!p0 $0x100000, s0  }
0x99: {  	[sflag:s0] =	ssyncadd.tile.s32 @!p0 $0x1;
	_ =	shalt  }
.Lfunc_end2:
_tile_overlayer_lowered:
.L_overlay_start_2:
0x9a: {  	(tag) =	ssettag $0x2  }
0x9b: {  	s0 =	rddreg [dreg:$0x0];
	s2 =	stileid.u32  }
0x9c: {  	s1 =	rddreg [dreg:$0x1];
	p0 =	sne.s32 s2, $0x0  }
0x9d: {  	s3 =	rddreg [dreg:$0x2];
	[bflag:$0x3] =	sbarrier.arrive $0xFFFF;
	s2 =	simm.s32 @!p0 $0x1C08  }
0x9e: {  	[timem:s3], [sflag:s2] =	dma.local @!p0 [hbm:s0], s1  }
0x9f: {  	s0 =	simm.s32 @!p0 $0x8  }
0xa0: {  	_ =	swait.ge @!p0 [sflag:s0], s1  }
0xa1: {  	s1 =	ssub.s32 @!p0 $0x0, s1;
	[sflag:s0] =	ssyncset.done @!p0 $0x0  }
0xa2: {  	[sflag:s0] =	ssyncadd.s32 @!p0 s1  }
0xa3: {  	[bflag:$0x3] =	sbarrier.arrive $0xFFFF  }
0xa4: {  	_ =	shalt  }

</sc_bundles>
